<compile_context>
chip_gen: v7x
topology: tpu7x:2x2x1
jax: 0.10.2.dev20260603
libtpu: 0.0.44.dev20260713+nightly
codegen_flags: <defaults>
</compile_context>

<pallas_src>
import jax
import jax.numpy as jnp
from jax import lax
from jax.experimental import pallas as pl
from jax.experimental.pallas import tpu as pltpu
from jax.experimental.pallas import tpu_sc as plsc

VOCAB = 100000
EMBED_DIM = 300
NUM_CORES = 2
NUM_SUBCORES = 16
NUM_WORKERS = NUM_CORES * NUM_SUBCORES
NBATCH = 4096
SEQ = 50
SEQ_PAD = 56
BATCH_PER_WORKER = NBATCH // NUM_WORKERS
TOTAL_PAD = NBATCH * SEQ_PAD
OUT_W = 384
PAIR_ROWS = 2 * SEQ_PAD
PAIRS_PER_WORKER = BATCH_PER_WORKER // 2


def _body(table_hbm, tail_hbm, idx_hbm, out_hbm,
          idx_v, rows_a, rows_b, ga, gb, wsem):
    c = lax.axis_index("c")
    s = lax.axis_index("s")
    wid = s * NUM_CORES + c
    pltpu.sync_copy(
        idx_hbm.at[pl.ds(wid * BATCH_PER_WORKER * SEQ_PAD,
                         BATCH_PER_WORKER * SEQ_PAD)], idx_v)
    base = wid * BATCH_PER_WORKER

    def gather(b, rows_v, sem):
        idxs = idx_v.at[pl.ds(b * PAIR_ROWS, PAIR_ROWS)]
        pltpu.async_copy(table_hbm.at[idxs, pl.ds(0, 128)],
                         rows_v.at[:, pl.ds(0, 128)], sem)
        pltpu.async_copy(table_hbm.at[idxs, pl.ds(128, 128)],
                         rows_v.at[:, pl.ds(128, 128)], sem)
        pltpu.async_copy(tail_hbm.at[idxs],
                         rows_v.at[:, pl.ds(256, 128)], sem)

    def drain3(rows_v, sem):
        for _ in range(3):
            pltpu.make_async_copy(
                table_hbm.at[pl.ds(0, PAIR_ROWS), pl.ds(0, 128)],
                rows_v.at[:, pl.ds(0, 128)], sem).wait()

    def write(b, rows_v):
        return pltpu.async_copy(
            rows_v,
            out_hbm.at[pl.ds(base * SEQ_PAD + b * PAIR_ROWS, PAIR_ROWS)],
            wsem)

    gather(0, rows_a, ga)

    def steppair(i, carry):
        b0 = 2 * i
        gather(b0 + 1, rows_b, gb)
        drain3(rows_a, ga)
        wa = write(b0, rows_a)
        drain3(rows_b, gb)
        wa.wait()

        @pl.when(b0 + 2 < PAIRS_PER_WORKER)
        def _():
            gather(b0 + 2, rows_a, ga)

        wb = write(b0 + 1, rows_b)
        wb.wait()
        return carry

    lax.fori_loop(0, PAIRS_PER_WORKER // 2, steppair, 0)


@jax.jit
def _run(table, tail, idx_flat):
    mesh = plsc.VectorSubcoreMesh(
        core_axis_name="c", subcore_axis_name="s",
        num_cores=NUM_CORES, num_subcores=NUM_SUBCORES)
    f = pl.kernel(
        _body,
        out_type=jax.ShapeDtypeStruct((TOTAL_PAD, OUT_W), jnp.float32),
        mesh=mesh,
        scratch_types=[
            pltpu.VMEM((BATCH_PER_WORKER * SEQ_PAD,), jnp.int32),
            pltpu.VMEM((PAIR_ROWS, OUT_W), jnp.float32),
            pltpu.VMEM((PAIR_ROWS, OUT_W), jnp.float32),
            pltpu.SemaphoreType.DMA,
            pltpu.SemaphoreType.DMA,
            pltpu.SemaphoreType.DMA,
        ],
    )
    out_pad = f(table, tail, idx_flat)
    return out_pad.reshape(NBATCH, SEQ_PAD, OUT_W)[:, :SEQ, :EMBED_DIM]


def kernel(table, pad_indexes):
    idx32 = pad_indexes.astype(jnp.int32)
    idx_pad = jnp.concatenate([idx32, idx32[:, :SEQ_PAD - SEQ]], axis=1)
    idx_flat = idx_pad.reshape(TOTAL_PAD)
    tail = jnp.pad(jax.lax.slice(table, (0, 256), (VOCAB, EMBED_DIM)),
                   ((0, 0), (0, 84)))
    return _run(table, tail, idx_flat)

# --- scband reference (transcript-rebuilt; emitter-appended) ---
"""Pipeline reference for scband-ntua-twitter-embedding-49873160241905 (READ-ONLY COPY).

The authoritative reference and input builder live on the scoring server;
editing this copy changes nothing except your own understanding.
"""

import jax, jax.numpy as jnp
import numpy as np

VOCAB = 100000
EMBED_DIM = 300
PADDING_IDX = 2


def setup_inputs(seed: int = 0) -> dict:
    key = jax.random.key(seed)
    k1, k2 = jax.random.split(key)
    # Pretrained embedding table (5 special tokens with zero rows + word vectors).
    table = jax.random.normal(k1, (VOCAB, EMBED_DIM), dtype=jnp.float32) * 0.02
    table = table.at[:5].set(0.0)  # special token rows initialized to zeros
    pad_indexes = jax.random.randint(k2, (4096, 50), 0, VOCAB, dtype=jnp.int64 if jax.config.read('jax_enable_x64') else jnp.int32)
    return {"table": table, "pad_indexes": pad_indexes}


def reference(table, pad_indexes):
    # nn.Embedding lookup: vectors = embedding(pad_indexes)
    vectors = jnp.take(table, pad_indexes, axis=0)
    return vectors

if __name__ == "__main__":
    import jax
    _d = setup_inputs()
    print(jax.jit(kernel)(*tuple(_d.values())))

</pallas_src>

<mosaic_0001>
#map = affine_map<(d0, d1) -> (0, 0)>
#map1 = affine_map<(d0, d1) -> (0)>
module attributes {stable_mosaic.version = 14 : i64} {
  func.func @_body(%arg0: i32, %arg1: i32, %arg2: memref<100000x300xf32, #tpu.memory_space<hbm>>, %arg3: memref<100000x128xf32, #tpu.memory_space<hbm>>, %arg4: memref<229376xi32, #tpu.memory_space<hbm>>, %arg5: memref<229376x384xf32, #tpu.memory_space<hbm>>, %arg6: memref<7168xi32, #tpu.memory_space<vmem>>, %arg7: memref<112x384xf32, #tpu.memory_space<vmem>>, %arg8: memref<112x384xf32, #tpu.memory_space<vmem>>, %arg9: memref<!tpu.dma_semaphore, #tpu.memory_space<semaphore_mem>>, %arg10: memref<!tpu.dma_semaphore, #tpu.memory_space<semaphore_mem>>, %arg11: memref<!tpu.dma_semaphore, #tpu.memory_space<semaphore_mem>>) attributes {dimension_semantics = [#tpu.dimension_semantics<core_parallel>, #tpu.dimension_semantics<subcore_parallel>], iteration_bounds = array<i64: 2, 16>, scalar_prefetch = 0 : i64, scratch_operands = 6 : i64, tpu.core_type = #tpu.core_type<sc_vector_subcore>, window_params = [{transform_indices = #map}, {transform_indices = #map}, {transform_indices = #map1}, {transform_indices = #map}]} {
    %mul3A = arith.constant 2 : i32
    %mul3A_0 = arith.muli %arg1, %mul3A : i32
    %add3A = arith.addi %mul3A_0, %arg0 : i32
    %mul3A_1 = arith.constant 128 : i32
    %mul3A_2 = arith.muli %add3A, %mul3A_1 : i32
    %mul3A_3 = arith.constant 56 : i32
    %mul3A_4 = arith.muli %mul3A_2, %mul3A_3 : i32
    "tpu.region"() ({
      %run_scoped3A = tpu.sem_alloc : memref<!tpu.dma_semaphore, #tpu.memory_space<semaphore_mem>>
      %dma_start3A_35 = tpu.memref_slice %arg4[%mul3A_4] : memref<229376xi32, #tpu.memory_space<hbm>> -> memref<7168xi32, #tpu.memory_space<hbm>>
      %dma_start3A_36 = tpu.memref_slice %arg4[%mul3A_4] : memref<229376xi32, #tpu.memory_space<hbm>> -> memref<7168xi32, #tpu.memory_space<hbm>>
      tpu.enqueue_dma source(%dma_start3A_36 : memref<7168xi32, #tpu.memory_space<hbm>>) target(%arg6 : memref<7168xi32, #tpu.memory_space<vmem>>) target_semaphore(%run_scoped3A : memref<!tpu.dma_semaphore, #tpu.memory_space<semaphore_mem>>)
      %dma_wait3A = tpu.memref_slice %arg4[%mul3A_4] : memref<229376xi32, #tpu.memory_space<hbm>> -> memref<7168xi32, #tpu.memory_space<hbm>>
      %dma_wait3A_37 = tpu.memref_slice %arg4[%mul3A_4] : memref<229376xi32, #tpu.memory_space<hbm>> -> memref<7168xi32, #tpu.memory_space<hbm>>
      tpu.wait_dma2 semaphore(%run_scoped3A : memref<!tpu.dma_semaphore, #tpu.memory_space<semaphore_mem>>) src(%dma_wait3A_37 : memref<7168xi32, #tpu.memory_space<hbm>>) dst(%arg6 : memref<7168xi32, #tpu.memory_space<vmem>>)
      tpu.yield
    }) : () -> ()
    %mul3A_5 = arith.constant 128 : i32
    %mul3A_6 = arith.muli %add3A, %mul3A_5 : i32
    %dma_start3A = arith.constant 0 : i32
    %dma_start3A_7 = arith.constant 0 : i32
    %dma_start3A_8 = tpu.memref_slice %arg7[%dma_start3A, %dma_start3A_7] : memref<112x384xf32, #tpu.memory_space<vmem>> -> memref<112x128xf32, #tpu.memory_space<vmem>>
    %dma_start3A_9 = arith.constant 0 : i32
    %dma_start3A_10 = tpu.memref_slice %arg6[%dma_start3A_9] : memref<7168xi32, #tpu.memory_space<vmem>> -> memref<112xi32, #tpu.memory_space<vmem>>
    %dma_start3A_11 = arith.constant 0 : i32
    %dma_start3A_12 = arith.constant 0 : i32
    %dma_start3A_13 = tpu.memref_slice %arg2[%dma_start3A_11, %dma_start3A_12] : memref<100000x300xf32, #tpu.memory_space<hbm>> -> memref<100000x128xf32, #tpu.memory_space<hbm>>
    tpu.enqueue_indirect_dma source(%dma_start3A_13 : memref<100000x128xf32, #tpu.memory_space<hbm>>) target(%dma_start3A_8 : memref<112x128xf32, #tpu.memory_space<vmem>>) offsets(%dma_start3A_10 : memref<112xi32, #tpu.memory_space<vmem>>) semaphore(%arg9 : memref<!tpu.dma_semaphore, #tpu.memory_space<semaphore_mem>>)
    %dma_start3A_14 = arith.constant 0 : i32
    %dma_start3A_15 = arith.constant 128 : i32
    %dma_start3A_16 = tpu.memref_slice %arg7[%dma_start3A_14, %dma_start3A_15] : memref<112x384xf32, #tpu.memory_space<vmem>> -> memref<112x128xf32, #tpu.memory_space<vmem>>
    %dma_start3A_17 = arith.constant 0 : i32
    %dma_start3A_18 = tpu.memref_slice %arg6[%dma_start3A_17] : memref<7168xi32, #tpu.memory_space<vmem>> -> memref<112xi32, #tpu.memory_space<vmem>>
    %dma_start3A_19 = arith.constant 0 : i32
    %dma_start3A_20 = arith.constant 128 : i32
    %dma_start3A_21 = tpu.memref_slice %arg2[%dma_start3A_19, %dma_start3A_20] : memref<100000x300xf32, #tpu.memory_space<hbm>> -> memref<100000x128xf32, #tpu.memory_space<hbm>>
    tpu.enqueue_indirect_dma source(%dma_start3A_21 : memref<100000x128xf32, #tpu.memory_space<hbm>>) target(%dma_start3A_16 : memref<112x128xf32, #tpu.memory_space<vmem>>) offsets(%dma_start3A_18 : memref<112xi32, #tpu.memory_space<vmem>>) semaphore(%arg9 : memref<!tpu.dma_semaphore, #tpu.memory_space<semaphore_mem>>)
    %dma_start3A_22 = arith.constant 0 : i32
    %dma_start3A_23 = arith.constant 256 : i32
    %dma_start3A_24 = tpu.memref_slice %arg7[%dma_start3A_22, %dma_start3A_23] : memref<112x384xf32, #tpu.memory_space<vmem>> -> memref<112x128xf32, #tpu.memory_space<vmem>>
    %dma_start3A_25 = arith.constant 0 : i32
    %dma_start3A_26 = tpu.memref_slice %arg6[%dma_start3A_25] : memref<7168xi32, #tpu.memory_space<vmem>> -> memref<112xi32, #tpu.memory_space<vmem>>
    %dma_start3A_27 = arith.constant 0 : i32
    %dma_start3A_28 = arith.constant 0 : i32
    %dma_start3A_29 = tpu.memref_slice %arg3[%dma_start3A_27, %dma_start3A_28] : memref<100000x128xf32, #tpu.memory_space<hbm>> -> memref<100000x128xf32, #tpu.memory_space<hbm>>
    tpu.enqueue_indirect_dma source(%dma_start3A_29 : memref<100000x128xf32, #tpu.memory_space<hbm>>) target(%dma_start3A_24 : memref<112x128xf32, #tpu.memory_space<vmem>>) offsets(%dma_start3A_26 : memref<112xi32, #tpu.memory_space<vmem>>) semaphore(%arg9 : memref<!tpu.dma_semaphore, #tpu.memory_space<semaphore_mem>>)
    %scan3A = arith.constant 0 : i32
    %scan3A_30 = arith.constant 0 : i32
    %scan3A_31 = arith.constant 32 : i32
    %scan3A_32 = arith.addi %scan3A_30, %scan3A_31 : i32
    %scan3A_33 = arith.constant 1 : i32
    scf.for %scan3A_35 = %scan3A_30 to %scan3A_32 step %scan3A_33  : i32 {
      %mul3A_36 = arith.constant 2 : i32
      %mul3A_37 = arith.muli %mul3A_36, %scan3A_35 : i32
      %add3A_38 = arith.constant 1 : i32
      %add3A_39 = arith.addi %mul3A_37, %add3A_38 : i32
      %mul3A_40 = arith.constant 112 : i32
      %mul3A_41 = arith.muli %add3A_39, %mul3A_40 : i32
      %dma_start3A_42 = arith.constant 0 : i32
      %dma_start3A_43 = arith.constant 0 : i32
      %dma_start3A_44 = tpu.memref_slice %arg8[%dma_start3A_42, %dma_start3A_43] : memref<112x384xf32, #tpu.memory_space<vmem>> -> memref<112x128xf32, #tpu.memory_space<vmem>>
      %dma_start3A_45 = tpu.memref_slice %arg6[%mul3A_41] : memref<7168xi32, #tpu.memory_space<vmem>> -> memref<112xi32, #tpu.memory_space<vmem>>
      %dma_start3A_46 = arith.constant 0 : i32
      %dma_start3A_47 = arith.constant 0 : i32
      %dma_start3A_48 = tpu.memref_slice %arg2[%dma_start3A_46, %dma_start3A_47] : memref<100000x300xf32, #tpu.memory_space<hbm>> -> memref<100000x128xf32, #tpu.memory_space<hbm>>
      tpu.enqueue_indirect_dma source(%dma_start3A_48 : memref<100000x128xf32, #tpu.memory_space<hbm>>) target(%dma_start3A_44 : memref<112x128xf32, #tpu.memory_space<vmem>>) offsets(%dma_start3A_45 : memref<112xi32, #tpu.memory_space<vmem>>) semaphore(%arg10 : memref<!tpu.dma_semaphore, #tpu.memory_space<semaphore_mem>>)
      %dma_start3A_49 = arith.constant 0 : i32
      %dma_start3A_50 = arith.constant 128 : i32
      %dma_start3A_51 = tpu.memref_slice %arg8[%dma_start3A_49, %dma_start3A_50] : memref<112x384xf32, #tpu.memory_space<vmem>> -> memref<112x128xf32, #tpu.memory_space<vmem>>
      %dma_start3A_52 = tpu.memref_slice %arg6[%mul3A_41] : memref<7168xi32, #tpu.memory_space<vmem>> -> memref<112xi32, #tpu.memory_space<vmem>>
      %dma_start3A_53 = arith.constant 0 : i32
      %dma_start3A_54 = arith.constant 128 : i32
      %dma_start3A_55 = tpu.memref_slice %arg2[%dma_start3A_53, %dma_start3A_54] : memref<100000x300xf32, #tpu.memory_space<hbm>> -> memref<100000x128xf32, #tpu.memory_space<hbm>>
      tpu.enqueue_indirect_dma source(%dma_start3A_55 : memref<100000x128xf32, #tpu.memory_space<hbm>>) target(%dma_start3A_51 : memref<112x128xf32, #tpu.memory_space<vmem>>) offsets(%dma_start3A_52 : memref<112xi32, #tpu.memory_space<vmem>>) semaphore(%arg10 : memref<!tpu.dma_semaphore, #tpu.memory_space<semaphore_mem>>)
      %dma_start3A_56 = arith.constant 0 : i32
      %dma_start3A_57 = arith.constant 256 : i32
      %dma_start3A_58 = tpu.memref_slice %arg8[%dma_start3A_56, %dma_start3A_57] : memref<112x384xf32, #tpu.memory_space<vmem>> -> memref<112x128xf32, #tpu.memory_space<vmem>>
      %dma_start3A_59 = tpu.memref_slice %arg6[%mul3A_41] : memref<7168xi32, #tpu.memory_space<vmem>> -> memref<112xi32, #tpu.memory_space<vmem>>
      %dma_start3A_60 = arith.constant 0 : i32
      %dma_start3A_61 = arith.constant 0 : i32
      %dma_start3A_62 = tpu.memref_slice %arg3[%dma_start3A_60, %dma_start3A_61] : memref<100000x128xf32, #tpu.memory_space<hbm>> -> memref<100000x128xf32, #tpu.memory_space<hbm>>
      tpu.enqueue_indirect_dma source(%dma_start3A_62 : memref<100000x128xf32, #tpu.memory_space<hbm>>) target(%dma_start3A_58 : memref<112x128xf32, #tpu.memory_space<vmem>>) offsets(%dma_start3A_59 : memref<112xi32, #tpu.memory_space<vmem>>) semaphore(%arg10 : memref<!tpu.dma_semaphore, #tpu.memory_space<semaphore_mem>>)
      %dma_wait3A = arith.constant 0 : i32
      %dma_wait3A_63 = arith.constant 0 : i32
      %dma_wait3A_64 = tpu.memref_slice %arg7[%dma_wait3A, %dma_wait3A_63] : memref<112x384xf32, #tpu.memory_space<vmem>> -> memref<112x128xf32, #tpu.memory_space<vmem>>
      %dma_wait3A_65 = arith.constant 0 : i32
      %dma_wait3A_66 = arith.constant 0 : i32
      %dma_wait3A_67 = tpu.memref_slice %arg2[%dma_wait3A_65, %dma_wait3A_66] : memref<100000x300xf32, #tpu.memory_space<hbm>> -> memref<112x128xf32, #tpu.memory_space<hbm>>
      %dma_wait3A_68 = arith.constant 0 : i32
      %dma_wait3A_69 = arith.constant 0 : i32
      %dma_wait3A_70 = tpu.memref_slice %arg7[%dma_wait3A_68, %dma_wait3A_69] : memref<112x384xf32, #tpu.memory_space<vmem>> -> memref<112x128xf32, #tpu.memory_space<vmem>>
      %dma_wait3A_71 = arith.constant 0 : i32
      %dma_wait3A_72 = arith.constant 0 : i32
      %dma_wait3A_73 = tpu.memref_slice %arg2[%dma_wait3A_71, %dma_wait3A_72] : memref<100000x300xf32, #tpu.memory_space<hbm>> -> memref<112x128xf32, #tpu.memory_space<hbm>>
      tpu.wait_dma2 semaphore(%arg9 : memref<!tpu.dma_semaphore, #tpu.memory_space<semaphore_mem>>) src(%dma_wait3A_73 : memref<112x128xf32, #tpu.memory_space<hbm>>) dst(%dma_wait3A_70 : memref<112x128xf32, #tpu.memory_space<vmem>>)
      %dma_wait3A_74 = arith.constant 0 : i32
      %dma_wait3A_75 = arith.constant 0 : i32
      %dma_wait3A_76 = tpu.memref_slice %arg7[%dma_wait3A_74, %dma_wait3A_75] : memref<112x384xf32, #tpu.memory_space<vmem>> -> memref<112x128xf32, #tpu.memory_space<vmem>>
      %dma_wait3A_77 = arith.constant 0 : i32
      %dma_wait3A_78 = arith.constant 0 : i32
      %dma_wait3A_79 = tpu.memref_slice %arg2[%dma_wait3A_77, %dma_wait3A_78] : memref<100000x300xf32, #tpu.memory_space<hbm>> -> memref<112x128xf32, #tpu.memory_space<hbm>>
      %dma_wait3A_80 = arith.constant 0 : i32
      %dma_wait3A_81 = arith.constant 0 : i32
      %dma_wait3A_82 = tpu.memref_slice %arg7[%dma_wait3A_80, %dma_wait3A_81] : memref<112x384xf32, #tpu.memory_space<vmem>> -> memref<112x128xf32, #tpu.memory_space<vmem>>
      %dma_wait3A_83 = arith.constant 0 : i32
      %dma_wait3A_84 = arith.constant 0 : i32
      %dma_wait3A_85 = tpu.memref_slice %arg2[%dma_wait3A_83, %dma_wait3A_84] : memref<100000x300xf32, #tpu.memory_space<hbm>> -> memref<112x128xf32, #tpu.memory_space<hbm>>
      tpu.wait_dma2 semaphore(%arg9 : memref<!tpu.dma_semaphore, #tpu.memory_space<semaphore_mem>>) src(%dma_wait3A_85 : memref<112x128xf32, #tpu.memory_space<hbm>>) dst(%dma_wait3A_82 : memref<112x128xf32, #tpu.memory_space<vmem>>)
      %dma_wait3A_86 = arith.constant 0 : i32
      %dma_wait3A_87 = arith.constant 0 : i32
      %dma_wait3A_88 = tpu.memref_slice %arg7[%dma_wait3A_86, %dma_wait3A_87] : memref<112x384xf32, #tpu.memory_space<vmem>> -> memref<112x128xf32, #tpu.memory_space<vmem>>
      %dma_wait3A_89 = arith.constant 0 : i32
      %dma_wait3A_90 = arith.constant 0 : i32
      %dma_wait3A_91 = tpu.memref_slice %arg2[%dma_wait3A_89, %dma_wait3A_90] : memref<100000x300xf32, #tpu.memory_space<hbm>> -> memref<112x128xf32, #tpu.memory_space<hbm>>
      %dma_wait3A_92 = arith.constant 0 : i32
      %dma_wait3A_93 = arith.constant 0 : i32
      %dma_wait3A_94 = tpu.memref_slice %arg7[%dma_wait3A_92, %dma_wait3A_93] : memref<112x384xf32, #tpu.memory_space<vmem>> -> memref<112x128xf32, #tpu.memory_space<vmem>>
      %dma_wait3A_95 = arith.constant 0 : i32
      %dma_wait3A_96 = arith.constant 0 : i32
      %dma_wait3A_97 = tpu.memref_slice %arg2[%dma_wait3A_95, %dma_wait3A_96] : memref<100000x300xf32, #tpu.memory_space<hbm>> -> memref<112x128xf32, #tpu.memory_space<hbm>>
      tpu.wait_dma2 semaphore(%arg9 : memref<!tpu.dma_semaphore, #tpu.memory_space<semaphore_mem>>) src(%dma_wait3A_97 : memref<112x128xf32, #tpu.memory_space<hbm>>) dst(%dma_wait3A_94 : memref<112x128xf32, #tpu.memory_space<vmem>>)
      %mul3A_98 = arith.constant 56 : i32
      %mul3A_99 = arith.muli %mul3A_6, %mul3A_98 : i32
      %mul3A_100 = arith.constant 112 : i32
      %mul3A_101 = arith.muli %mul3A_37, %mul3A_100 : i32
      %add3A_102 = arith.addi %mul3A_99, %mul3A_101 : i32
      %dma_start3A_103 = arith.constant 0 : i32
      %dma_start3A_104 = tpu.memref_slice %arg5[%add3A_102, %dma_start3A_103] : memref<229376x384xf32, #tpu.memory_space<hbm>> -> memref<112x384xf32, #tpu.memory_space<hbm>>
      %dma_start3A_105 = arith.constant 0 : i32
      %dma_start3A_106 = tpu.memref_slice %arg5[%add3A_102, %dma_start3A_105] : memref<229376x384xf32, #tpu.memory_space<hbm>> -> memref<112x384xf32, #tpu.memory_space<hbm>>
      tpu.enqueue_dma source(%arg7 : memref<112x384xf32, #tpu.memory_space<vmem>>) target(%dma_start3A_106 : memref<112x384xf32, #tpu.memory_space<hbm>>) target_semaphore(%arg11 : memref<!tpu.dma_semaphore, #tpu.memory_space<semaphore_mem>>)
      %dma_wait3A_107 = arith.constant 0 : i32
      %dma_wait3A_108 = arith.constant 0 : i32
      %dma_wait3A_109 = tpu.memref_slice %arg8[%dma_wait3A_107, %dma_wait3A_108] : memref<112x384xf32, #tpu.memory_space<vmem>> -> memref<112x128xf32, #tpu.memory_space<vmem>>
      %dma_wait3A_110 = arith.constant 0 : i32
      %dma_wait3A_111 = arith.constant 0 : i32
      %dma_wait3A_112 = tpu.memref_slice %arg2[%dma_wait3A_110, %dma_wait3A_111] : memref<100000x300xf32, #tpu.memory_space<hbm>> -> memref<112x128xf32, #tpu.memory_space<hbm>>
      %dma_wait3A_113 = arith.constant 0 : i32
      %dma_wait3A_114 = arith.constant 0 : i32
      %dma_wait3A_115 = tpu.memref_slice %arg8[%dma_wait3A_113, %dma_wait3A_114] : memref<112x384xf32, #tpu.memory_space<vmem>> -> memref<112x128xf32, #tpu.memory_space<vmem>>
      %dma_wait3A_116 = arith.constant 0 : i32
      %dma_wait3A_117 = arith.constant 0 : i32
      %dma_wait3A_118 = tpu.memref_slice %arg2[%dma_wait3A_116, %dma_wait3A_117] : memref<100000x300xf32, #tpu.memory_space<hbm>> -> memref<112x128xf32, #tpu.memory_space<hbm>>
      tpu.wait_dma2 semaphore(%arg10 : memref<!tpu.dma_semaphore, #tpu.memory_space<semaphore_mem>>) src(%dma_wait3A_118 : memref<112x128xf32, #tpu.memory_space<hbm>>) dst(%dma_wait3A_115 : memref<112x128xf32, #tpu.memory_space<vmem>>)
      %dma_wait3A_119 = arith.constant 0 : i32
      %dma_wait3A_120 = arith.constant 0 : i32
      %dma_wait3A_121 = tpu.memref_slice %arg8[%dma_wait3A_119, %dma_wait3A_120] : memref<112x384xf32, #tpu.memory_space<vmem>> -> memref<112x128xf32, #tpu.memory_space<vmem>>
      %dma_wait3A_122 = arith.constant 0 : i32
      %dma_wait3A_123 = arith.constant 0 : i32
      %dma_wait3A_124 = tpu.memref_slice %arg2[%dma_wait3A_122, %dma_wait3A_123] : memref<100000x300xf32, #tpu.memory_space<hbm>> -> memref<112x128xf32, #tpu.memory_space<hbm>>
      %dma_wait3A_125 = arith.constant 0 : i32
      %dma_wait3A_126 = arith.constant 0 : i32
      %dma_wait3A_127 = tpu.memref_slice %arg8[%dma_wait3A_125, %dma_wait3A_126] : memref<112x384xf32, #tpu.memory_space<vmem>> -> memref<112x128xf32, #tpu.memory_space<vmem>>
      %dma_wait3A_128 = arith.constant 0 : i32
      %dma_wait3A_129 = arith.constant 0 : i32
      %dma_wait3A_130 = tpu.memref_slice %arg2[%dma_wait3A_128, %dma_wait3A_129] : memref<100000x300xf32, #tpu.memory_space<hbm>> -> memref<112x128xf32, #tpu.memory_space<hbm>>
      tpu.wait_dma2 semaphore(%arg10 : memref<!tpu.dma_semaphore, #tpu.memory_space<semaphore_mem>>) src(%dma_wait3A_130 : memref<112x128xf32, #tpu.memory_space<hbm>>) dst(%dma_wait3A_127 : memref<112x128xf32, #tpu.memory_space<vmem>>)
      %dma_wait3A_131 = arith.constant 0 : i32
      %dma_wait3A_132 = arith.constant 0 : i32
      %dma_wait3A_133 = tpu.memref_slice %arg8[%dma_wait3A_131, %dma_wait3A_132] : memref<112x384xf32, #tpu.memory_space<vmem>> -> memref<112x128xf32, #tpu.memory_space<vmem>>
      %dma_wait3A_134 = arith.constant 0 : i32
      %dma_wait3A_135 = arith.constant 0 : i32
      %dma_wait3A_136 = tpu.memref_slice %arg2[%dma_wait3A_134, %dma_wait3A_135] : memref<100000x300xf32, #tpu.memory_space<hbm>> -> memref<112x128xf32, #tpu.memory_space<hbm>>
      %dma_wait3A_137 = arith.constant 0 : i32
      %dma_wait3A_138 = arith.constant 0 : i32
      %dma_wait3A_139 = tpu.memref_slice %arg8[%dma_wait3A_137, %dma_wait3A_138] : memref<112x384xf32, #tpu.memory_space<vmem>> -> memref<112x128xf32, #tpu.memory_space<vmem>>
      %dma_wait3A_140 = arith.constant 0 : i32
      %dma_wait3A_141 = arith.constant 0 : i32
      %dma_wait3A_142 = tpu.memref_slice %arg2[%dma_wait3A_140, %dma_wait3A_141] : memref<100000x300xf32, #tpu.memory_space<hbm>> -> memref<112x128xf32, #tpu.memory_space<hbm>>
      tpu.wait_dma2 semaphore(%arg10 : memref<!tpu.dma_semaphore, #tpu.memory_space<semaphore_mem>>) src(%dma_wait3A_142 : memref<112x128xf32, #tpu.memory_space<hbm>>) dst(%dma_wait3A_139 : memref<112x128xf32, #tpu.memory_space<vmem>>)
      %dma_wait3A_143 = arith.constant 0 : i32
      %dma_wait3A_144 = tpu.memref_slice %arg5[%add3A_102, %dma_wait3A_143] : memref<229376x384xf32, #tpu.memory_space<hbm>> -> memref<112x384xf32, #tpu.memory_space<hbm>>
      %dma_wait3A_145 = arith.constant 0 : i32
      %dma_wait3A_146 = tpu.memref_slice %arg5[%add3A_102, %dma_wait3A_145] : memref<229376x384xf32, #tpu.memory_space<hbm>> -> memref<112x384xf32, #tpu.memory_space<hbm>>
      tpu.wait_dma2 semaphore(%arg11 : memref<!tpu.dma_semaphore, #tpu.memory_space<semaphore_mem>>) src(%arg7 : memref<112x384xf32, #tpu.memory_space<vmem>>) dst(%dma_wait3A_146 : memref<112x384xf32, #tpu.memory_space<hbm>>)
      %add3A_147 = arith.constant 2 : i32
      %add3A_148 = arith.addi %mul3A_37, %add3A_147 : i32
      %lt3A = arith.constant 64 : i32
      %lt3A_149 = arith.cmpi slt, %add3A_148, %lt3A : i32
      %convert_element_type3A = arith.extui %lt3A_149 : i1 to i32
      %cond3A = arith.constant 0 : i32
      %cond3A_150 = arith.cmpi ne, %convert_element_type3A, %cond3A : i32
      scf.if %cond3A_150 {
        %add3A_166 = arith.constant 2 : i32
        %add3A_167 = arith.addi %mul3A_37, %add3A_166 : i32
        %mul3A_168 = arith.constant 112 : i32
        %mul3A_169 = arith.muli %add3A_167, %mul3A_168 : i32
        %dma_start3A_170 = arith.constant 0 : i32
        %dma_start3A_171 = arith.constant 0 : i32
        %dma_start3A_172 = tpu.memref_slice %arg7[%dma_start3A_170, %dma_start3A_171] : memref<112x384xf32, #tpu.memory_space<vmem>> -> memref<112x128xf32, #tpu.memory_space<vmem>>
        %dma_start3A_173 = tpu.memref_slice %arg6[%mul3A_169] : memref<7168xi32, #tpu.memory_space<vmem>> -> memref<112xi32, #tpu.memory_space<vmem>>
        %dma_start3A_174 = arith.constant 0 : i32
        %dma_start3A_175 = arith.constant 0 : i32
        %dma_start3A_176 = tpu.memref_slice %arg2[%dma_start3A_174, %dma_start3A_175] : memref<100000x300xf32, #tpu.memory_space<hbm>> -> memref<100000x128xf32, #tpu.memory_space<hbm>>
        tpu.enqueue_indirect_dma source(%dma_start3A_176 : memref<100000x128xf32, #tpu.memory_space<hbm>>) target(%dma_start3A_172 : memref<112x128xf32, #tpu.memory_space<vmem>>) offsets(%dma_start3A_173 : memref<112xi32, #tpu.memory_space<vmem>>) semaphore(%arg9 : memref<!tpu.dma_semaphore, #tpu.memory_space<semaphore_mem>>)
        %dma_start3A_177 = arith.constant 0 : i32
        %dma_start3A_178 = arith.constant 128 : i32
        %dma_start3A_179 = tpu.memref_slice %arg7[%dma_start3A_177, %dma_start3A_178] : memref<112x384xf32, #tpu.memory_space<vmem>> -> memref<112x128xf32, #tpu.memory_space<vmem>>
        %dma_start3A_180 = tpu.memref_slice %arg6[%mul3A_169] : memref<7168xi32, #tpu.memory_space<vmem>> -> memref<112xi32, #tpu.memory_space<vmem>>
        %dma_start3A_181 = arith.constant 0 : i32
        %dma_start3A_182 = arith.constant 128 : i32
        %dma_start3A_183 = tpu.memref_slice %arg2[%dma_start3A_181, %dma_start3A_182] : memref<100000x300xf32, #tpu.memory_space<hbm>> -> memref<100000x128xf32, #tpu.memory_space<hbm>>
        tpu.enqueue_indirect_dma source(%dma_start3A_183 : memref<100000x128xf32, #tpu.memory_space<hbm>>) target(%dma_start3A_179 : memref<112x128xf32, #tpu.memory_space<vmem>>) offsets(%dma_start3A_180 : memref<112xi32, #tpu.memory_space<vmem>>) semaphore(%arg9 : memref<!tpu.dma_semaphore, #tpu.memory_space<semaphore_mem>>)
        %dma_start3A_184 = arith.constant 0 : i32
        %dma_start3A_185 = arith.constant 256 : i32
        %dma_start3A_186 = tpu.memref_slice %arg7[%dma_start3A_184, %dma_start3A_185] : memref<112x384xf32, #tpu.memory_space<vmem>> -> memref<112x128xf32, #tpu.memory_space<vmem>>
        %dma_start3A_187 = tpu.memref_slice %arg6[%mul3A_169] : memref<7168xi32, #tpu.memory_space<vmem>> -> memref<112xi32, #tpu.memory_space<vmem>>
        %dma_start3A_188 = arith.constant 0 : i32
        %dma_start3A_189 = arith.constant 0 : i32
        %dma_start3A_190 = tpu.memref_slice %arg3[%dma_start3A_188, %dma_start3A_189] : memref<100000x128xf32, #tpu.memory_space<hbm>> -> memref<100000x128xf32, #tpu.memory_space<hbm>>
        tpu.enqueue_indirect_dma source(%dma_start3A_190 : memref<100000x128xf32, #tpu.memory_space<hbm>>) target(%dma_start3A_186 : memref<112x128xf32, #tpu.memory_space<vmem>>) offsets(%dma_start3A_187 : memref<112xi32, #tpu.memory_space<vmem>>) semaphore(%arg9 : memref<!tpu.dma_semaphore, #tpu.memory_space<semaphore_mem>>)
      } else {
      }
      %add3A_151 = arith.constant 1 : i32
      %add3A_152 = arith.addi %mul3A_37, %add3A_151 : i32
      %mul3A_153 = arith.constant 56 : i32
      %mul3A_154 = arith.muli %mul3A_6, %mul3A_153 : i32
      %mul3A_155 = arith.constant 112 : i32
      %mul3A_156 = arith.muli %add3A_152, %mul3A_155 : i32
      %add3A_157 = arith.addi %mul3A_154, %mul3A_156 : i32
      %dma_start3A_158 = arith.constant 0 : i32
      %dma_start3A_159 = tpu.memref_slice %arg5[%add3A_157, %dma_start3A_158] : memref<229376x384xf32, #tpu.memory_space<hbm>> -> memref<112x384xf32, #tpu.memory_space<hbm>>
      %dma_start3A_160 = arith.constant 0 : i32
      %dma_start3A_161 = tpu.memref_slice %arg5[%add3A_157, %dma_start3A_160] : memref<229376x384xf32, #tpu.memory_space<hbm>> -> memref<112x384xf32, #tpu.memory_space<hbm>>
      tpu.enqueue_dma source(%arg8 : memref<112x384xf32, #tpu.memory_space<vmem>>) target(%dma_start3A_161 : memref<112x384xf32, #tpu.memory_space<hbm>>) target_semaphore(%arg11 : memref<!tpu.dma_semaphore, #tpu.memory_space<semaphore_mem>>)
      %dma_wait3A_162 = arith.constant 0 : i32
      %dma_wait3A_163 = tpu.memref_slice %arg5[%add3A_157, %dma_wait3A_162] : memref<229376x384xf32, #tpu.memory_space<hbm>> -> memref<112x384xf32, #tpu.memory_space<hbm>>
      %dma_wait3A_164 = arith.constant 0 : i32
      %dma_wait3A_165 = tpu.memref_slice %arg5[%add3A_157, %dma_wait3A_164] : memref<229376x384xf32, #tpu.memory_space<hbm>> -> memref<112x384xf32, #tpu.memory_space<hbm>>
      tpu.wait_dma2 semaphore(%arg11 : memref<!tpu.dma_semaphore, #tpu.memory_space<semaphore_mem>>) src(%arg8 : memref<112x384xf32, #tpu.memory_space<vmem>>) dst(%dma_wait3A_165 : memref<112x384xf32, #tpu.memory_space<hbm>>)
    }
    %scan3A_34 = arith.constant 32 : i32
    return
  }
}

</mosaic_0001>

<sc_bundles>
// kernel: _run.3.cloned.1.call-start
scs
__scs_entry_jumppad:
0x0: {  	(pc) =	sbr.rel $0x88, $3  }
0x1: {  	(tag) =	ssettag $0x0;
	lr =	simm.s32 $0x1  }
0x2: {  	[smem:$0x3F9E] =	sst lr;
	_ =	strace $0xD0000000  }
0x3: {  	_ = 	snop  }
0x4: {  	_ = 	snop  }
0x5: {  	_ = 	snop  }
0x6: {  	_ = 	snop  }
0x7: {  	_ = 	snop  }
__scs_overlays_trampoline_lowered:
0x8: {  	[smem:$0x3FAD] =	sst s0  }
0x9: {  	[smem:$0x3FAE] =	sst s1  }
0xa: {  	[smem:$0x3FAF] =	sst s2  }
0xb: {  	[smem:$0x3FB0] =	sst s3  }
0xc: {  	[smem:$0x3FB1] =	sst s4  }
0xd: {  	[smem:$0x3FB2] =	sst s5  }
0xe: {  	[smem:$0x3FB3] =	sst s6  }
0xf: {  	[smem:$0x3FB4] =	sst s7  }
0x10: {  	[smem:$0x3FB5] =	sst s8  }
0x11: {  	[smem:$0x3FB6] =	sst s9;
	s0 =	simm.s32 @!p0 $0x0  }
0x12: {  	s1 =	sld [smem:$0x3F9C];
	s0 =	simm.s32 @p0 $0x1  }
0x13: {  	[smem:$0x3FB7] =	sst s0;
	s0 =	simm.s32 @!p1 $0x0  }
0x14: {  	s2 =	sld [smem:$0x3F9B];
	s0 =	simm.s32 @p1 $0x1  }
0x15: {  	[smem:$0x3FB8] =	sst s0;
	s0 =	simm.s32 @!p2 $0x0  }
0x16: {  	s3 =	sld [smem:$0x3FDB];
	s0 =	simm.s32 @p2 $0x1  }
0x17: {  	s4 =	simm.s32 $0x1BF5;
	[smem:$0x3FBA] =	sst s0  }
0x18: {  	s0 =	sld [smem:$0x3F9D];
	_ =	swait.ge [sflag:s4], $0x0  }
0x19: {  	s7 =	sld [smem:$0x3F9E]  }
0x1a: {  	s8 =	sadd.s32 $0xFFFFE003, lr  }
0x1b: {  	s9 =	sadd.s32 $0xFFFFFEF7, lr;
	s5 =	simm.s32 $0xFFFFFFFF;
	p2 =	slt.u32 s8, $0xFFFFF086  }
0x1c: {  	p1 =	slt.u32 s9, $0xF7A;
	s5 =	simm.s32 @!p2 $0x0  }
0x1d: {  	s5 =	simm.s32 @p1 $0x1;
	p0 =	seq.s32 s7, s2  }
0x1e: {  	s7 =	smul.u32 @!p0 $0xF7A, s2;
	p2 =	seq.s32 @!p0 s5, $0x0  }
0x1f: {  	s9 =	smul.u32 $0xF7A, s1;
	s8 =	simm.s32 @!p0 $0x1BF5;
	p2 =	por !p2, p0  }
0x20: {  	[sflag:s8] =	ssyncset.s32 @!p0 $0xFFFFF086;
	s6 =	sadd.s32 @!p0 s3, s7;
	s7 =	simm.s32 @!p0 $0x108  }
0x21: {  	s3 =	sadd.s32 s3, s9;
	s6 =	sadd.s32 @!p0 $0x88, s6;
	s7 =	simm.s32 @p2 $0x1082  }
0x22: {  	[simem:s7], [sflag:s8] =	dma.local @!p0 [hbm:s6], $0xF7A  }
0x23: {  	s9 =	sor.u32 $0xD0000000, s2;
	s6 =	simm.s32 $0x108;
	_ =	swait.ge @!p0 [sflag:s8], $0x0  }
0x24: {  	s3 =	sadd.s32 $0x88, s3;
	s6 =	simm.s32 @!p1 $0x1082;
	[sflag:s4] =	ssyncset.s32 $0xFFFFF086  }
0x25: {  	[simem:s6], [sflag:s4] =	dma.local [hbm:s3], $0xF7A  }
0x26: {  	[smem:$0x3F9E] =	sst s1;
	(tag) =	ssettag s2;
	_ =	strace s9  }
0x27: {  	s1 =	sld [smem:$0x3FAE]  }
0x28: {  	s2 =	sld [smem:$0x3FAF]  }
0x29: {  	s4 =	sld [smem:$0x3FB1]  }
0x2a: {  	p0 =	seq.s32 s5, $0x0;
	s5 =	sld [smem:$0x3FB2]  }
0x2b: {  	s6 =	sld [smem:$0x3FB3]  }
0x2c: {  	s7 =	sld [smem:$0x3FB4]  }
0x2d: {  	s3 =	simm.s32 $0x108;
	s8 =	sld [smem:$0x3FB5]  }
0x2e: {  	s3 =	simm.s32 @!p0 $0x1082;
	s9 =	sld [smem:$0x3FB6]  }
0x2f: {  	lr =	sadd.s32 s0, s3;
	s0 =	sld [smem:$0x3FAD]  }
0x30: {  	s3 =	sld [smem:$0x3FB0]  }
0x31: {  	[smem:$0x3FB9] =	sst s10  }
0x32: {  	s10 =	sld [smem:$0x3FB7];
	_ =	sdelay $0x3  }
0x33: {  	p0 =	seq.s32 s10, $0x1;
	s10 =	sld [smem:$0x3FB9];
	_ =	sdelay $0x3  }
0x34: {  	[smem:$0x3FB9] =	sst s10  }
0x35: {  	s10 =	sld [smem:$0x3FB8];
	_ =	sdelay $0x3  }
0x36: {  	p1 =	seq.s32 s10, $0x1;
	s10 =	sld [smem:$0x3FB9];
	_ =	sdelay $0x3  }
0x37: {  	[smem:$0x3FB9] =	sst s10  }
0x38: {  	s10 =	sld [smem:$0x3FBA]  }
0x39: {  	_ = 	snop;
	(pc) =	sbr.ind lr, $3  }
0x3a: {  	_ = 	snop  }
0x3b: {  	_ = 	snop  }
0x3c: {  	p2 =	seq.s32 s10, $0x1;
	s10 =	sld [smem:$0x3FB9]  }
0x3d: {  	_ =	shalt  }
0x3e: {  	_ =	shalt  }
0x3f: {  	_ =	shalt  }
0x40: {  	_ =	shalt  }
0x41: {  	_ =	shalt  }
0x42: {  	_ =	shalt  }
0x43: {  	_ =	shalt  }
0x44: {  	_ =	shalt  }
0x45: {  	_ =	shalt  }
0x46: {  	_ =	shalt  }
0x47: {  	_ =	shalt  }
0x48: {  	_ =	shalt  }
0x49: {  	_ =	shalt  }
0x4a: {  	_ =	shalt  }
0x4b: {  	_ =	shalt  }
0x4c: {  	_ =	shalt  }
0x4d: {  	_ =	shalt  }
0x4e: {  	_ =	shalt  }
0x4f: {  	_ =	shalt  }
0x50: {  	_ =	shalt  }
0x51: {  	_ =	shalt  }
0x52: {  	_ =	shalt  }
0x53: {  	_ =	shalt  }
0x54: {  	_ =	shalt  }
0x55: {  	_ =	shalt  }
0x56: {  	_ =	shalt  }
0x57: {  	_ =	shalt  }
0x58: {  	_ =	shalt  }
0x59: {  	_ =	shalt  }
0x5a: {  	_ =	shalt  }
0x5b: {  	_ =	shalt  }
0x5c: {  	_ =	shalt  }
0x5d: {  	_ =	shalt  }
0x5e: {  	_ =	shalt  }
0x5f: {  	_ =	shalt  }
0x60: {  	_ =	shalt  }
0x61: {  	_ =	shalt  }
0x62: {  	_ =	shalt  }
0x63: {  	_ =	shalt  }
0x64: {  	_ =	shalt  }
0x65: {  	_ =	shalt  }
0x66: {  	_ =	shalt  }
0x67: {  	_ =	shalt  }
0x68: {  	_ =	shalt  }
0x69: {  	_ =	shalt  }
0x6a: {  	_ =	shalt  }
0x6b: {  	_ =	shalt  }
0x6c: {  	_ =	shalt  }
0x6d: {  	_ =	shalt  }
0x6e: {  	_ =	shalt  }
0x6f: {  	_ =	shalt  }
0x70: {  	_ =	shalt  }
0x71: {  	_ =	shalt  }
0x72: {  	_ =	shalt  }
0x73: {  	_ =	shalt  }
0x74: {  	_ =	shalt  }
0x75: {  	_ =	shalt  }
0x76: {  	_ =	shalt  }
0x77: {  	_ =	shalt  }
0x78: {  	_ =	shalt  }
0x79: {  	_ =	shalt  }
0x7a: {  	_ =	shalt  }
0x7b: {  	_ =	shalt  }
0x7c: {  	_ =	shalt  }
0x7d: {  	_ =	shalt  }
0x7e: {  	_ =	shalt  }
0x7f: {  	_ =	shalt  }
0x80: {  	_ =	shalt  }
0x81: {  	_ =	shalt  }
0x82: {  	_ =	shalt  }
0x83: {  	_ =	shalt  }
0x84: {  	_ =	shalt  }
0x85: {  	_ =	shalt  }
0x86: {  	_ =	shalt  }
0x87: {  	_ =	shalt  }
.Lfunc_end0:
.L_simem_size_0:
called_computation.1_lowered:
.L_overlay_start_0:
0x88: {  	s2 =	sld [smem:$0x3FD9]  }
0x89: {  	s3 =	sld [smem:$0x3FFE];
	_ =	sdelay $0x1  }
0x8a: {  	s1 =	srdreg.scid  }
0x8b: {  	s0 =	sand.u32 $0x1, s1  }
0x8c: {  	s17 =	sshll.u32 s0, $0xA;
	s2 =	sadd.s32 s3, s2  }
0x8d: {  	s2 =	sadd.s32 s2, s17  }
0x8e: {  	[smem:$0x3FC5] =	sst s2  }
0x8f: {  	_ = 	snop  }
0x90: {  	s2 =	sld [smem:$0x3FC8]  }
0x91: {  	s18 =	sld [smem:$0x3FC7]  }
0x92: {  	s4 =	sld [smem:$0x3FD0];
	(tm) =	ssettm $0x1  }
0x93: {  	s5 =	sld [smem:$0x3FFB];
	_ =	sdelay $0x3  }
0x94: {  	_ =	strace s5  }
0x95: {  	s5 =	sld [smem:$0x3FFC];
	_ =	sdelay $0x3  }
0x96: {  	_ =	strace s5  }
0x97: {  	s5 =	sld [smem:$0x3FFD];
	_ =	sdelay $0x3  }
0x98: {  	_ =	strace s5  }
0x99: {  	_ =	strace $0x8FFFFFFF  }
0x9a: {  	s19 =	sld [smem:$0x3FDB];
	_ =	sdelay $0x1  }
0x9b: {  	s6 =	simm.s32 $_scs_section_size  }
0x9c: {  	s7 =	simm.s32 $_size__tile_overlayer_lowered;
	s8 =	simm.s32 $_tile_overlayer_lowered  }
0x9d: {  	s22 =	simm.s32 $0x1BFF;
	s21 =	sshll.u32 s8, $0x1;
	s5 =	sadd.s32 s6, s19  }
0x9e: {  	s9 =	simm.s32 $0x0;
	s20 =	sshll.u32 s7, $0x1;
	s7 =	sadd.s32 s21, s5  }
0x9f: {  	[timem:s9], [sflag:s22] =	dma.local [hbm:s7], s20  }
0xa0: {  	_ =	swait.ge [sflag:s22], s20  }
0xa1: {  	s6 =	ssub.s32 $0x0, s20;
	[sflag:s22] =	ssyncset.done $0x0  }
0xa2: {  	[sflag:s22] =	ssyncadd.s32 s6;
	_ =	sdelay $0x1  }
0xa3: {  	s23 =	simm.s32 $0x1B8B  }
0xa4: {  	_ =	swait.ge [sflag:s23], $0x1  }
0xa5: {  	[sflag:s23] =	ssyncset.done $0x0  }
0xa6: {  	s25 =	simm.s32 $0x1B8E;
	s24 =	sld [smem:$0x3FFE];
	[sflag:s23] =	ssyncadd.s32 $0xFFFFFFFF  }
0xa7: {  	s26 =	simm.s32 $execute0_lowered;
	[smem:$0x3FD2] =	sst s25  }
0xa8: {  	s7 =	sshll.u32 s26, $0x1;
	_ =	strace $0x80000046;
	[dreg:$0x1] =	wrdreg $0xFFFFFFFF  }
0xa9: {  	s28 =	simm.s32 $_size_execute0_lowered;
	s5 =	sadd.s32 s5, s7;
	[dreg:$0x0] =	wrdreg $0x0  }
0xaa: {  	s7 =	sshll.u32 s28, $0x1;
	[dreg:$0x2] =	wrdreg s5  }
0xab: {  	[dreg:$0x3] =	wrdreg s7  }
0xac: {  	[dreg:$0x4] =	wrdreg $0xC0  }
0xad: {  	_ =	task [dreg:s9], $0x5FFFF  }
0xae: {  	[dreg:$0x1] =	wrdreg $0xFFFFFFFF  }
0xaf: {  	[dreg:$0x0] =	wrdreg $0x60  }
0xb0: {  	[dreg:$0x2] =	wrdreg s4  }
0xb1: {  	[dreg:$0x3] =	wrdreg s2  }
0xb2: {  	[dreg:$0x4] =	wrdreg s18  }
0xb3: {  	[dreg:$0x5] =	wrdreg s24  }
0xb4: {  	[dreg:$0x6] =	wrdreg $0x9  }
0xb5: {  	_ =	task.clear_ibuf [dreg:s9], $0x7FFFF;
	_ =	strace $0x90000046  }
0xb6: {  	s29 =	simm.s32 $0x9;
	_ =	strace $0x80000048  }
0xb7: {  	_ =	swait.ge [sflag:s29], $0x1  }
0xb8: {  	[sflag:s29] =	ssyncadd.s32 $0xFFFFFFFF  }
0xb9: {  	_ =	strace $0x90000048  }
0xba: {  	_ =	sfence  }
0xbb: {  	s30 =	sld [smem:$0x0];
	_ =	sdelay $0x2  }
0xbc: {  	s31 =	sshll.u32 s1, $0xD;
	s1 =	sshrl.u32 s1, $0x2  }
0xbd: {  	s3 =	sand.u32 $0x4000, s31;
	s1 =	sadd.s32 s1, s30  }
0xbe: {  	s0 =	sor.u32 s3, s0;
	s1 =	sshll.u32 s1, $0x11  }
0xbf: {  	s0 =	sor.u32 s1, s0  }
0xc0: {  	s0 =	sadd.s32 $0x8F2B, s0  }
0xc1: {  	[sflag:s0] =	ssyncadd.remote.s32 $0x1  }
0xc2: {  	_ =	sfence.sel $0xFFFF  }
0xc3: {  	[dreg:$0x0] =	wrdreg $0xFFFFFFFF;
	(pc) =	sbr.abs _section_cstart, $3  }
0xc4: {  	[dreg:$0x1] =	wrdreg $0xFFFFFFFF  }
0xc5: {  	_ =	task.clear_ibuf [dreg:s9], $0x2FFFF;
	_ =	strace $0x9FFFFFFF  }
0xc6: {  	(tm) =	ssettm $0x7FFFFFFF  }
0xc7: {  	_ =	shalt  }
tec
execute0_lowered:
.L_overlay_start_1:
0x0: {  	(tag) =	ssettag $0x1  }
0x1: {  	s1 =	rddreg [dreg:$0x0]  }
0x2: {  	s2 =	rddreg [dreg:$0x1]  }
0x3: {  	s0 =	rddreg [dreg:$0x2];
	s3 =	srdreg.scid  }
0x4: {  	s8 =	stileid.u32;
	s5 =	rddreg [dreg:$0x3]  }
0x5: {  	s4 =	simm.s32 $0x0;
	s11 =	simm.s32 $0x1C00;
	s30 =	simm.s32 $0xC400  }
0x6: {  	s10 =	simm.s32 $0xD800;
	s12 =	simm.s32 $0xE400;
	s13 =	simm.s32 $0xF000  }
0x7: {  	s14 =	simm.s32 $0xFC00;
	s15 =	simm.s32 $0x10800;
	s16 =	simm.s32 $0x11400  }
0x8: {  	s17 =	simm.s32 $0x12000;
	s18 =	simm.s32 $0x12C00;
	s19 =	simm.s32 $0x13800  }
0x9: {  	s20 =	simm.s32 $0x14400;
	s21 =	simm.s32 $0x15000;
	s22 =	simm.s32 $0x15C00  }
0xa: {  	s23 =	simm.s32 $0x16800;
	s24 =	simm.s32 $0x1;
	s25 =	simm.s32 $0x2  }
0xb: {  	s29 =	simm.s32 $0x0;
	s3 =	sand.u32 $0x1, s3;
	s6 =	smul.u32 $0x3800, s8  }
0xc: {  	[smem:$0x7FF] =	sst s4;
	s8 =	sshll.u32 s8, $0x1;
	s7 =	smul.u32 $0x1C00, s3  }
0xd: {  	s5 =	sadd.s32 $0x800, s5;
	s8 =	sor.u32 s3, s8;
	s3 =	ssub.s32 $0x2, s3  }
0xe: {  	s26 =	smul.u32 $0x1C00, s8;
	s9 =	sshrl.u32 s3, $0x1;
	s6 =	sadd.s32 s7, s6  }
0xf: {  	_ =	strace $0x80000047;
	s3 =	ssub.s32 s3, s9;
	s28 =	sor.u32 $0x70, s6  }
0x10: {  	s7 =	sshrl.u32 s26, $0x3;
	s6 =	sshrl.u32 s6, $0x3;
	s3 =	smax.u32 s3, $0x1  }
.Ltmp0:
0x11: {  	s26 =	simm.s32 $0x3;
	s8 =	sshrl.u32 s28, $0x3;
	(pc) =	sbr.rel .LBB2_1-.Ltmp0, $4  }
0x12: {  	s0 =	sadd.s32 s0, s7;
	s31 =	smul.u32 $0x180, s6;
	s6 =	sadd.s32 $0x80, s1  }
0x13: {  	v2 =	vlaneseq.u32;
	[dreg:$0x6] =	wrdreg s3;
	s3 =	simm.s32 $0x14C00;
	s8 =	smul.u32 $0x180, s8  }
0x14: {  	vm0 =	vmmov $0xff;
	v1 =	vshrl.u32 v2, $0x3;
	s7 =	simm.s32 $0xCC00;
	[dreg:$0x5] =	wrdreg s0;
	s0 =	simm.s32 $0x15800  }
0x15: {  	v0 =	vand.u32 $0x7, v2;
	v2 =	vor.u32 $0x8, v2;
	v1 =	vmul.u32 $0x8, v1;
	s9 =	sadd.s32 s31, s5;
	s8 =	sadd.s32 s8, s5;
	s5 =	simm.s32 $0x16400  }
.LBB2_5:
0x16: {  	s29 =	rddreg [dreg:$0x7]  }
0x17: {  	s28 =	rddreg [dreg:$0x6];
	s29 =	sadd.s32 $0x1, s29  }
0x18: {  	p0 =	sne.s32 s29, s28  }
.Ltmp1:
0x19: {  	_ = 	snop;
	(pc) =	sbr.rel @!p0 .LBB2_6-.Ltmp1, $1  }
0x1a: {  	_ =	sdelay $0x3  }
.LBB2_1:
0x1b: {  	s28 =	rddreg [dreg:$0x5]  }
0x1c: {  	[tilespmem:s4], [sflag:$0x4] =	stream.linear.gather [hbm4b:s28+s4], $0x1C00, $0x38;
	[tilespmem:$0x16C00] =	vst v63  }
0x1d: {  	[dreg:$0x7] =	wrdreg s29;
	s28 =	simm.s32 $0x4  }
0x1e: {  	_ =	swait.ge [sflag:s28], $0x1C00  }
0x1f: {  	[sflag:s28] =	ssyncset.done $0x0  }
0x20: {  	[sflag:s28] =	ssyncadd.s32 $0xFFFFE400  }
0x21: {  	v3 =	vld [tilespmem:$0x0];
	_ =	sdelay $0x4  }
0x22: {  	v4 =	vshrl.u32 v3, $0x3  }
0x23: {  	v4 =	vmul.u32 $0x18, v4  }
0x24: {  	v3 =	vand.u32 $0x7, v3  }
0x25: {  	v3 =	vor.u32 v3, v4  }
0x26: {  	v4 =	vperm.xlane v3, v0;
	_ =	sdelay $0x1  }
0x27: {  	v3 =	vperm.xlane v3, v2;
	v4 =	vadd.s32 v1, v4;
	_ =	sdelay $0x1  }
0x28: {  	v3 =	vadd.s32 v1, v3;
	_ =	sdelay $0x2  }
0x29: {  	[tilespmem:s11], [sflag:$0x1] =	stream.indirect_vreg.gather [hbm4b:s1+s4], $0x80, v4, vm0, $0xb8;
	[tilespmem:$0x16C00] =	vst v63  }
0x2a: {  	s28 =	simm.s32 $0x2800  }
0x2b: {  	[tilespmem:s28], [sflag:$0x1] =	stream.indirect_vreg.gather [hbm4b:s1+s4], $0x80, v3, vm0, $0xb8;
	[tilespmem:$0x16C00] =	vst v63  }
0x2c: {  	v3 =	vld [tilespmem:$0x10];
	_ =	sdelay $0x4  }
0x2d: {  	v44 =	vshrl.u32 v3, $0x3  }
0x2e: {  	v4 =	vmul.u32 $0x18, v44  }
0x2f: {  	v3 =	vand.u32 $0x7, v3  }
0x30: {  	v3 =	vor.u32 v3, v4  }
0x31: {  	v4 =	vperm.xlane v3, v0;
	_ =	sdelay $0x1  }
0x32: {  	v3 =	vperm.xlane v3, v2;
	v4 =	vadd.s32 v1, v4;
	_ =	sdelay $0x1  }
0x33: {  	v3 =	vadd.s32 v1, v3;
	_ =	sdelay $0x1  }
0x34: {  	s28 =	simm.s32 $0x3400  }
0x35: {  	[tilespmem:s28], [sflag:$0x1] =	stream.indirect_vreg.gather [hbm4b:s1+s4], $0x80, v4, vm0, $0xb8;
	[tilespmem:$0x16C00] =	vst v63  }
0x36: {  	s28 =	simm.s32 $0x4000  }
0x37: {  	[tilespmem:s28], [sflag:$0x1] =	stream.indirect_vreg.gather [hbm4b:s1+s4], $0x80, v3, vm0, $0xb8;
	[tilespmem:$0x16C00] =	vst v63  }
0x38: {  	v3 =	vld [tilespmem:$0x20];
	_ =	sdelay $0x4  }
0x39: {  	v45 =	vshrl.u32 v3, $0x3  }
0x3a: {  	v4 =	vmul.u32 $0x18, v45  }
0x3b: {  	v3 =	vand.u32 $0x7, v3  }
0x3c: {  	v3 =	vor.u32 v3, v4  }
0x3d: {  	v4 =	vperm.xlane v3, v0;
	_ =	sdelay $0x1  }
0x3e: {  	v3 =	vperm.xlane v3, v2;
	v4 =	vadd.s32 v1, v4;
	_ =	sdelay $0x1  }
0x3f: {  	v3 =	vadd.s32 v1, v3;
	_ =	sdelay $0x1  }
0x40: {  	s28 =	simm.s32 $0x4C00  }
0x41: {  	[tilespmem:s28], [sflag:$0x1] =	stream.indirect_vreg.gather [hbm4b:s1+s4], $0x80, v4, vm0, $0xb8;
	[tilespmem:$0x16C00] =	vst v63  }
0x42: {  	s28 =	simm.s32 $0x5800  }
0x43: {  	[tilespmem:s28], [sflag:$0x1] =	stream.indirect_vreg.gather [hbm4b:s1+s4], $0x80, v3, vm0, $0xb8;
	[tilespmem:$0x16C00] =	vst v63  }
0x44: {  	v3 =	vld [tilespmem:$0x30];
	_ =	sdelay $0x4  }
0x45: {  	v46 =	vshrl.u32 v3, $0x3  }
0x46: {  	v4 =	vmul.u32 $0x18, v46  }
0x47: {  	v3 =	vand.u32 $0x7, v3  }
0x48: {  	v3 =	vor.u32 v3, v4  }
0x49: {  	v4 =	vperm.xlane v3, v0;
	_ =	sdelay $0x1  }
0x4a: {  	v3 =	vperm.xlane v3, v2;
	v4 =	vadd.s32 v1, v4;
	_ =	sdelay $0x1  }
0x4b: {  	v3 =	vadd.s32 v1, v3;
	_ =	sdelay $0x1  }
0x4c: {  	s28 =	simm.s32 $0x6400  }
0x4d: {  	[tilespmem:s28], [sflag:$0x1] =	stream.indirect_vreg.gather [hbm4b:s1+s4], $0x80, v4, vm0, $0xb8;
	[tilespmem:$0x16C00] =	vst v63  }
0x4e: {  	s28 =	simm.s32 $0x7000  }
0x4f: {  	[tilespmem:s28], [sflag:$0x1] =	stream.indirect_vreg.gather [hbm4b:s1+s4], $0x80, v3, vm0, $0xb8;
	[tilespmem:$0x16C00] =	vst v63  }
0x50: {  	v3 =	vld [tilespmem:$0x40];
	_ =	sdelay $0x4  }
0x51: {  	v47 =	vshrl.u32 v3, $0x3  }
0x52: {  	v4 =	vmul.u32 $0x18, v47  }
0x53: {  	v3 =	vand.u32 $0x7, v3  }
0x54: {  	v3 =	vor.u32 v3, v4  }
0x55: {  	v4 =	vperm.xlane v3, v0;
	_ =	sdelay $0x1  }
0x56: {  	v3 =	vperm.xlane v3, v2;
	v4 =	vadd.s32 v1, v4;
	_ =	sdelay $0x1  }
0x57: {  	v3 =	vadd.s32 v1, v3;
	_ =	sdelay $0x1  }
0x58: {  	s28 =	simm.s32 $0x7C00  }
0x59: {  	[tilespmem:s28], [sflag:$0x1] =	stream.indirect_vreg.gather [hbm4b:s1+s4], $0x80, v4, vm0, $0xb8;
	[tilespmem:$0x16C00] =	vst v63  }
0x5a: {  	s28 =	simm.s32 $0x8800  }
0x5b: {  	[tilespmem:s28], [sflag:$0x1] =	stream.indirect_vreg.gather [hbm4b:s1+s4], $0x80, v3, vm0, $0xb8;
	[tilespmem:$0x16C00] =	vst v63  }
0x5c: {  	v3 =	vld [tilespmem:$0x50];
	_ =	sdelay $0x4  }
0x5d: {  	v48 =	vshrl.u32 v3, $0x3  }
0x5e: {  	v4 =	vmul.u32 $0x18, v48  }
0x5f: {  	v3 =	vand.u32 $0x7, v3  }
0x60: {  	v3 =	vor.u32 v3, v4  }
0x61: {  	v4 =	vperm.xlane v3, v0;
	_ =	sdelay $0x1  }
0x62: {  	v3 =	vperm.xlane v3, v2;
	v4 =	vadd.s32 v1, v4;
	_ =	sdelay $0x1  }
0x63: {  	v3 =	vadd.s32 v1, v3;
	_ =	sdelay $0x1  }
0x64: {  	s28 =	simm.s32 $0x9400  }
0x65: {  	[tilespmem:s28], [sflag:$0x1] =	stream.indirect_vreg.gather [hbm4b:s1+s4], $0x80, v4, vm0, $0xb8;
	[tilespmem:$0x16C00] =	vst v63  }
0x66: {  	s28 =	simm.s32 $0xA000  }
0x67: {  	[tilespmem:s28], [sflag:$0x1] =	stream.indirect_vreg.gather [hbm4b:s1+s4], $0x80, v3, vm0, $0xb8;
	[tilespmem:$0x16C00] =	vst v63  }
0x68: {  	v3 =	vld [tilespmem:$0x60];
	_ =	sdelay $0x4  }
0x69: {  	v49 =	vshrl.u32 v3, $0x3  }
0x6a: {  	v4 =	vmul.u32 $0x18, v49  }
0x6b: {  	v3 =	vand.u32 $0x7, v3  }
0x6c: {  	v3 =	vor.u32 v3, v4  }
0x6d: {  	v4 =	vperm.xlane v3, v0;
	_ =	sdelay $0x1  }
0x6e: {  	v3 =	vperm.xlane v3, v2;
	v4 =	vadd.s32 v1, v4;
	_ =	sdelay $0x1  }
0x6f: {  	v3 =	vadd.s32 v1, v3;
	_ =	sdelay $0x1  }
0x70: {  	s28 =	simm.s32 $0xAC00  }
0x71: {  	[tilespmem:s28], [sflag:$0x1] =	stream.indirect_vreg.gather [hbm4b:s1+s4], $0x80, v4, vm0, $0xb8;
	[tilespmem:$0x16C00] =	vst v63  }
0x72: {  	s28 =	simm.s32 $0xB800  }
0x73: {  	[tilespmem:s28], [sflag:$0x1] =	stream.indirect_vreg.gather [hbm4b:s1+s4], $0x80, v3, vm0, $0xb8;
	[tilespmem:$0x16C00] =	vst v63  }
0x74: {  	v3 =	vld [tilespmem:$0x0];
	_ =	sdelay $0x4  }
0x75: {  	v50 =	vshrl.u32 v3, $0x3  }
0x76: {  	v4 =	vmul.u32 $0x18, v50  }
0x77: {  	v3 =	vand.u32 $0x7, v3  }
0x78: {  	v3 =	vor.u32 v3, v4  }
0x79: {  	v4 =	vperm.xlane v3, v0;
	_ =	sdelay $0x1  }
0x7a: {  	v3 =	vperm.xlane v3, v2;
	v4 =	vadd.s32 v1, v4;
	_ =	sdelay $0x1  }
0x7b: {  	v3 =	vadd.s32 v1, v3;
	_ =	sdelay $0x1  }
0x7c: {  	s28 =	simm.s32 $0x2000  }
0x7d: {  	[tilespmem:s28], [sflag:$0x1] =	stream.indirect_vreg.gather [hbm4b:s6+s4], $0x80, v4, vm0, $0xb8;
	[tilespmem:$0x16C00] =	vst v63  }
0x7e: {  	s28 =	simm.s32 $0x2C00  }
0x7f: {  	[tilespmem:s28], [sflag:$0x1] =	stream.indirect_vreg.gather [hbm4b:s6+s4], $0x80, v3, vm0, $0xb8;
	[tilespmem:$0x16C00] =	vst v63  }
0x80: {  	v3 =	vld [tilespmem:$0x10];
	_ =	sdelay $0x4  }
0x81: {  	v51 =	vshrl.u32 v3, $0x3  }
0x82: {  	v4 =	vmul.u32 $0x18, v51  }
0x83: {  	v3 =	vand.u32 $0x7, v3  }
0x84: {  	v3 =	vor.u32 v3, v4  }
0x85: {  	v4 =	vperm.xlane v3, v0;
	_ =	sdelay $0x1  }
0x86: {  	v3 =	vperm.xlane v3, v2;
	v4 =	vadd.s32 v1, v4;
	_ =	sdelay $0x1  }
0x87: {  	v3 =	vadd.s32 v1, v3;
	_ =	sdelay $0x1  }
0x88: {  	s28 =	simm.s32 $0x3800  }
0x89: {  	[tilespmem:s28], [sflag:$0x1] =	stream.indirect_vreg.gather [hbm4b:s6+s4], $0x80, v4, vm0, $0xb8;
	[tilespmem:$0x16C00] =	vst v63  }
0x8a: {  	s28 =	simm.s32 $0x4400  }
0x8b: {  	[tilespmem:s28], [sflag:$0x1] =	stream.indirect_vreg.gather [hbm4b:s6+s4], $0x80, v3, vm0, $0xb8;
	[tilespmem:$0x16C00] =	vst v63  }
0x8c: {  	v3 =	vld [tilespmem:$0x20];
	_ =	sdelay $0x4  }
0x8d: {  	v52 =	vshrl.u32 v3, $0x3  }
0x8e: {  	v4 =	vmul.u32 $0x18, v52  }
0x8f: {  	v3 =	vand.u32 $0x7, v3  }
0x90: {  	v3 =	vor.u32 v3, v4  }
0x91: {  	v4 =	vperm.xlane v3, v0;
	_ =	sdelay $0x1  }
0x92: {  	v3 =	vperm.xlane v3, v2;
	v4 =	vadd.s32 v1, v4;
	_ =	sdelay $0x1  }
0x93: {  	v3 =	vadd.s32 v1, v3;
	_ =	sdelay $0x1  }
0x94: {  	s28 =	simm.s32 $0x5000  }
0x95: {  	[tilespmem:s28], [sflag:$0x1] =	stream.indirect_vreg.gather [hbm4b:s6+s4], $0x80, v4, vm0, $0xb8;
	[tilespmem:$0x16C00] =	vst v63  }
0x96: {  	s28 =	simm.s32 $0x5C00  }
0x97: {  	[tilespmem:s28], [sflag:$0x1] =	stream.indirect_vreg.gather [hbm4b:s6+s4], $0x80, v3, vm0, $0xb8;
	[tilespmem:$0x16C00] =	vst v63  }
0x98: {  	v3 =	vld [tilespmem:$0x30];
	_ =	sdelay $0x4  }
0x99: {  	v53 =	vshrl.u32 v3, $0x3  }
0x9a: {  	v4 =	vmul.u32 $0x18, v53  }
0x9b: {  	v3 =	vand.u32 $0x7, v3  }
0x9c: {  	v3 =	vor.u32 v3, v4  }
0x9d: {  	v4 =	vperm.xlane v3, v0;
	_ =	sdelay $0x1  }
0x9e: {  	v3 =	vperm.xlane v3, v2;
	v4 =	vadd.s32 v1, v4;
	_ =	sdelay $0x1  }
0x9f: {  	v3 =	vadd.s32 v1, v3;
	_ =	sdelay $0x1  }
0xa0: {  	s28 =	simm.s32 $0x6800  }
0xa1: {  	[tilespmem:s28], [sflag:$0x1] =	stream.indirect_vreg.gather [hbm4b:s6+s4], $0x80, v4, vm0, $0xb8;
	[tilespmem:$0x16C00] =	vst v63  }
0xa2: {  	s28 =	simm.s32 $0x7400  }
0xa3: {  	[tilespmem:s28], [sflag:$0x1] =	stream.indirect_vreg.gather [hbm4b:s6+s4], $0x80, v3, vm0, $0xb8;
	[tilespmem:$0x16C00] =	vst v63  }
0xa4: {  	v3 =	vld [tilespmem:$0x40];
	_ =	sdelay $0x4  }
0xa5: {  	v54 =	vshrl.u32 v3, $0x3  }
0xa6: {  	v4 =	vmul.u32 $0x18, v54  }
0xa7: {  	v3 =	vand.u32 $0x7, v3  }
0xa8: {  	v3 =	vor.u32 v3, v4  }
0xa9: {  	v4 =	vperm.xlane v3, v0;
	_ =	sdelay $0x1  }
0xaa: {  	v3 =	vperm.xlane v3, v2;
	v4 =	vadd.s32 v1, v4;
	_ =	sdelay $0x1  }
0xab: {  	v3 =	vadd.s32 v1, v3;
	_ =	sdelay $0x1  }
0xac: {  	s28 =	simm.s32 $0x8000  }
0xad: {  	[tilespmem:s28], [sflag:$0x1] =	stream.indirect_vreg.gather [hbm4b:s6+s4], $0x80, v4, vm0, $0xb8;
	[tilespmem:$0x16C00] =	vst v63  }
0xae: {  	s28 =	simm.s32 $0x8C00  }
0xaf: {  	[tilespmem:s28], [sflag:$0x1] =	stream.indirect_vreg.gather [hbm4b:s6+s4], $0x80, v3, vm0, $0xb8;
	[tilespmem:$0x16C00] =	vst v63  }
0xb0: {  	v3 =	vld [tilespmem:$0x50];
	_ =	sdelay $0x4  }
0xb1: {  	v55 =	vshrl.u32 v3, $0x3  }
0xb2: {  	v4 =	vmul.u32 $0x18, v55  }
0xb3: {  	v3 =	vand.u32 $0x7, v3  }
0xb4: {  	v3 =	vor.u32 v3, v4  }
0xb5: {  	v4 =	vperm.xlane v3, v0;
	_ =	sdelay $0x1  }
0xb6: {  	v3 =	vperm.xlane v3, v2;
	v4 =	vadd.s32 v1, v4;
	_ =	sdelay $0x1  }
0xb7: {  	v3 =	vadd.s32 v1, v3;
	_ =	sdelay $0x1  }
0xb8: {  	s28 =	simm.s32 $0x9800  }
0xb9: {  	[tilespmem:s28], [sflag:$0x1] =	stream.indirect_vreg.gather [hbm4b:s6+s4], $0x80, v4, vm0, $0xb8;
	[tilespmem:$0x16C00] =	vst v63  }
0xba: {  	s28 =	simm.s32 $0xA400  }
0xbb: {  	[tilespmem:s28], [sflag:$0x1] =	stream.indirect_vreg.gather [hbm4b:s6+s4], $0x80, v3, vm0, $0xb8;
	[tilespmem:$0x16C00] =	vst v63  }
0xbc: {  	v3 =	vld [tilespmem:$0x60];
	_ =	sdelay $0x4  }
0xbd: {  	v56 =	vshrl.u32 v3, $0x3  }
0xbe: {  	v4 =	vmul.u32 $0x18, v56  }
0xbf: {  	v3 =	vand.u32 $0x7, v3  }
0xc0: {  	v3 =	vor.u32 v3, v4  }
0xc1: {  	v4 =	vperm.xlane v3, v0;
	_ =	sdelay $0x1  }
0xc2: {  	v3 =	vperm.xlane v3, v2;
	v4 =	vadd.s32 v1, v4;
	_ =	sdelay $0x1  }
0xc3: {  	v3 =	vadd.s32 v1, v3;
	_ =	sdelay $0x1  }
0xc4: {  	s28 =	simm.s32 $0xB000  }
0xc5: {  	[tilespmem:s28], [sflag:$0x1] =	stream.indirect_vreg.gather [hbm4b:s6+s4], $0x80, v4, vm0, $0xb8;
	[tilespmem:$0x16C00] =	vst v63  }
0xc6: {  	s28 =	simm.s32 $0xBC00  }
0xc7: {  	[tilespmem:s28], [sflag:$0x1] =	stream.indirect_vreg.gather [hbm4b:s6+s4], $0x80, v3, vm0, $0xb8;
	[tilespmem:$0x16C00] =	vst v63  }
0xc8: {  	v3 =	vld [tilespmem:$0x0];
	_ =	sdelay $0x4  }
0xc9: {  	v57 =	vperm.xlane v3, v0;
	_ =	sdelay $0x1  }
0xca: {  	v3 =	vperm.xlane v3, v2;
	v4 =	vadd.s32 v1, v57;
	_ =	sdelay $0x1  }
0xcb: {  	v3 =	vadd.s32 v1, v3;
	_ =	sdelay $0x1  }
0xcc: {  	s28 =	simm.s32 $0x2400  }
0xcd: {  	[tilespmem:s28], [sflag:$0x1] =	stream.indirect_vreg.gather [hbm4b:s2+s4], $0x80, v4, vm0, $0xb8;
	[tilespmem:$0x16C00] =	vst v63  }
0xce: {  	s28 =	simm.s32 $0x3000  }
0xcf: {  	[tilespmem:s28], [sflag:$0x1] =	stream.indirect_vreg.gather [hbm4b:s2+s4], $0x80, v3, vm0, $0xb8;
	[tilespmem:$0x16C00] =	vst v63  }
0xd0: {  	v3 =	vld [tilespmem:$0x10];
	_ =	sdelay $0x4  }
0xd1: {  	v58 =	vperm.xlane v3, v0;
	_ =	sdelay $0x1  }
0xd2: {  	v3 =	vperm.xlane v3, v2;
	v4 =	vadd.s32 v1, v58;
	_ =	sdelay $0x1  }
0xd3: {  	v3 =	vadd.s32 v1, v3;
	_ =	sdelay $0x1  }
0xd4: {  	s28 =	simm.s32 $0x3C00  }
0xd5: {  	[tilespmem:s28], [sflag:$0x1] =	stream.indirect_vreg.gather [hbm4b:s2+s4], $0x80, v4, vm0, $0xb8;
	[tilespmem:$0x16C00] =	vst v63  }
0xd6: {  	s28 =	simm.s32 $0x4800  }
0xd7: {  	[tilespmem:s28], [sflag:$0x1] =	stream.indirect_vreg.gather [hbm4b:s2+s4], $0x80, v3, vm0, $0xb8;
	[tilespmem:$0x16C00] =	vst v63  }
0xd8: {  	v3 =	vld [tilespmem:$0x20];
	_ =	sdelay $0x4  }
0xd9: {  	v59 =	vperm.xlane v3, v0;
	_ =	sdelay $0x1  }
0xda: {  	v3 =	vperm.xlane v3, v2;
	v4 =	vadd.s32 v1, v59;
	_ =	sdelay $0x1  }
0xdb: {  	v3 =	vadd.s32 v1, v3;
	_ =	sdelay $0x1  }
0xdc: {  	s28 =	simm.s32 $0x5400  }
0xdd: {  	[tilespmem:s28], [sflag:$0x1] =	stream.indirect_vreg.gather [hbm4b:s2+s4], $0x80, v4, vm0, $0xb8;
	[tilespmem:$0x16C00] =	vst v63  }
0xde: {  	s28 =	simm.s32 $0x6000  }
0xdf: {  	[tilespmem:s28], [sflag:$0x1] =	stream.indirect_vreg.gather [hbm4b:s2+s4], $0x80, v3, vm0, $0xb8;
	[tilespmem:$0x16C00] =	vst v63  }
0xe0: {  	v3 =	vld [tilespmem:$0x30];
	_ =	sdelay $0x4  }
0xe1: {  	v60 =	vperm.xlane v3, v0;
	_ =	sdelay $0x1  }
0xe2: {  	v3 =	vperm.xlane v3, v2;
	v4 =	vadd.s32 v1, v60;
	_ =	sdelay $0x1  }
0xe3: {  	v3 =	vadd.s32 v1, v3;
	_ =	sdelay $0x1  }
0xe4: {  	s28 =	simm.s32 $0x6C00  }
0xe5: {  	[tilespmem:s28], [sflag:$0x1] =	stream.indirect_vreg.gather [hbm4b:s2+s4], $0x80, v4, vm0, $0xb8;
	[tilespmem:$0x16C00] =	vst v63  }
0xe6: {  	s28 =	simm.s32 $0x7800  }
0xe7: {  	[tilespmem:s28], [sflag:$0x1] =	stream.indirect_vreg.gather [hbm4b:s2+s4], $0x80, v3, vm0, $0xb8;
	[tilespmem:$0x16C00] =	vst v63  }
0xe8: {  	v3 =	vld [tilespmem:$0x40];
	_ =	sdelay $0x4  }
0xe9: {  	v61 =	vperm.xlane v3, v0;
	_ =	sdelay $0x1  }
0xea: {  	v3 =	vperm.xlane v3, v2;
	v4 =	vadd.s32 v1, v61;
	_ =	sdelay $0x1  }
0xeb: {  	v3 =	vadd.s32 v1, v3;
	_ =	sdelay $0x1  }
0xec: {  	s28 =	simm.s32 $0x8400  }
0xed: {  	[tilespmem:s28], [sflag:$0x1] =	stream.indirect_vreg.gather [hbm4b:s2+s4], $0x80, v4, vm0, $0xb8;
	[tilespmem:$0x16C00] =	vst v63  }
0xee: {  	s28 =	simm.s32 $0x9000  }
0xef: {  	[tilespmem:s28], [sflag:$0x1] =	stream.indirect_vreg.gather [hbm4b:s2+s4], $0x80, v3, vm0, $0xb8;
	[tilespmem:$0x16C00] =	vst v63  }
0xf0: {  	v3 =	vld [tilespmem:$0x50];
	_ =	sdelay $0x4  }
0xf1: {  	v62 =	vperm.xlane v3, v0;
	_ =	sdelay $0x1  }
0xf2: {  	v3 =	vperm.xlane v3, v2;
	v4 =	vadd.s32 v1, v62;
	_ =	sdelay $0x1  }
0xf3: {  	v3 =	vadd.s32 v1, v3;
	_ =	sdelay $0x1  }
0xf4: {  	s28 =	simm.s32 $0x9C00  }
0xf5: {  	[tilespmem:s28], [sflag:$0x1] =	stream.indirect_vreg.gather [hbm4b:s2+s4], $0x80, v4, vm0, $0xb8;
	[tilespmem:$0x16C00] =	vst v63  }
0xf6: {  	s28 =	simm.s32 $0xA800  }
0xf7: {  	[tilespmem:s28], [sflag:$0x1] =	stream.indirect_vreg.gather [hbm4b:s2+s4], $0x80, v3, vm0, $0xb8;
	[tilespmem:$0x16C00] =	vst v63  }
0xf8: {  	v3 =	vld [tilespmem:$0x60];
	_ =	sdelay $0x4  }
0xf9: {  	v63 =	vperm.xlane v3, v0;
	_ =	sdelay $0x1  }
0xfa: {  	v3 =	vperm.xlane v3, v2;
	v4 =	vadd.s32 v1, v63;
	_ =	sdelay $0x1  }
0xfb: {  	v3 =	vadd.s32 v1, v3;
	_ =	sdelay $0x1  }
.Ltmp2:
0xfc: {  	s28 =	simm.s32 $0xB400;
	(pc) =	sbr.rel .LBB2_2-.Ltmp2, $4  }
0xfd: {  	[tilespmem:s28], [sflag:$0x1] =	stream.indirect_vreg.gather [hbm4b:s2+s4], $0x80, v4, vm0, $0xb8;
	[tilespmem:$0x16C00] =	vst v63  }
0xfe: {  	s28 =	simm.s32 $0xC000  }
0xff: {  	[tilespmem:s28], [sflag:$0x1] =	stream.indirect_vreg.gather [hbm4b:s2+s4], $0x80, v3, vm0, $0xb8;
	[tilespmem:$0x16C00] =	vst v63  }
0x100: {  	s29 =	simm.s32 $0x0;
	s28 =	simm.s32 $0xA0  }
.LBB2_4:
0x101: {  	s31 =	sadd.s32 s29, s8;
	s29 =	sadd.s32 $0x2A00, s29  }
0x102: {  	p0 =	sne.s32 s29, $0x54000  }
.Ltmp3:
0x103: {  	_ = 	snop;
	(pc) =	sbr.rel @!p0 .LBB2_5-.Ltmp3, $4  }
0x104: {  	[hbm4b:s31+s4] =	stream.linear.scatter [tilespmem:s30], [sflag:$0x3], $0xA800, $0x38;
	[tilespmem:$0x16C00] =	vst v63  }
0x105: {  	_ =	swait.ge [sflag:s26], $0xA800  }
0x106: {  	[sflag:s26] =	ssyncset.done $0x0  }
0x107: {  	s28 =	sadd.s32 $0xE0, s28;
	[sflag:s26] =	ssyncadd.s32 $0xFFFF5800  }
.LBB2_2:
0x108: {  	v3 =	vld [tilespmem:s28+$0xFFFFFFD0];
	_ =	sdelay $0x4  }
0x109: {  	v4 =	vshrl.u32 v3, $0x3  }
0x10a: {  	v4 =	vmul.u32 $0x18, v4  }
0x10b: {  	v3 =	vand.u32 $0x7, v3  }
0x10c: {  	v3 =	vor.u32 v3, v4  }
0x10d: {  	v4 =	vperm.xlane v3, v0;
	_ =	sdelay $0x1  }
0x10e: {  	v3 =	vperm.xlane v3, v2;
	v4 =	vadd.s32 v1, v4;
	_ =	sdelay $0x1  }
0x10f: {  	v3 =	vadd.s32 v1, v3;
	_ =	sdelay $0x2  }
0x110: {  	[tilespmem:s30], [sflag:$0x2] =	stream.indirect_vreg.gather [hbm4b:s1+s4], $0x80, v4, vm0, $0xb8;
	[tilespmem:$0x16C00] =	vst v63  }
0x111: {  	s31 =	simm.s32 $0xD000  }
0x112: {  	[tilespmem:s31], [sflag:$0x2] =	stream.indirect_vreg.gather [hbm4b:s1+s4], $0x80, v3, vm0, $0xb8;
	[tilespmem:$0x16C00] =	vst v63  }
0x113: {  	v3 =	vld [tilespmem:s28+$0xFFFFFFE0];
	_ =	sdelay $0x4  }
0x114: {  	v44 =	vshrl.u32 v3, $0x3  }
0x115: {  	v4 =	vmul.u32 $0x18, v44  }
0x116: {  	v3 =	vand.u32 $0x7, v3  }
0x117: {  	v3 =	vor.u32 v3, v4  }
0x118: {  	v4 =	vperm.xlane v3, v0;
	_ =	sdelay $0x1  }
0x119: {  	v3 =	vperm.xlane v3, v2;
	v4 =	vadd.s32 v1, v4;
	_ =	sdelay $0x1  }
0x11a: {  	v3 =	vadd.s32 v1, v3;
	_ =	sdelay $0x1  }
0x11b: {  	s31 =	simm.s32 $0xDC00  }
0x11c: {  	[tilespmem:s31], [sflag:$0x2] =	stream.indirect_vreg.gather [hbm4b:s1+s4], $0x80, v4, vm0, $0xb8;
	[tilespmem:$0x16C00] =	vst v63  }
0x11d: {  	s31 =	simm.s32 $0xE800  }
0x11e: {  	[tilespmem:s31], [sflag:$0x2] =	stream.indirect_vreg.gather [hbm4b:s1+s4], $0x80, v3, vm0, $0xb8;
	[tilespmem:$0x16C00] =	vst v63  }
0x11f: {  	v3 =	vld [tilespmem:s28+$0xFFFFFFF0];
	_ =	sdelay $0x4  }
0x120: {  	v45 =	vshrl.u32 v3, $0x3  }
0x121: {  	v4 =	vmul.u32 $0x18, v45  }
0x122: {  	v3 =	vand.u32 $0x7, v3  }
0x123: {  	v3 =	vor.u32 v3, v4  }
0x124: {  	v4 =	vperm.xlane v3, v0;
	_ =	sdelay $0x1  }
0x125: {  	v3 =	vperm.xlane v3, v2;
	v4 =	vadd.s32 v1, v4;
	_ =	sdelay $0x1  }
0x126: {  	v3 =	vadd.s32 v1, v3;
	_ =	sdelay $0x1  }
0x127: {  	s31 =	simm.s32 $0xF400  }
0x128: {  	[tilespmem:s31], [sflag:$0x2] =	stream.indirect_vreg.gather [hbm4b:s1+s4], $0x80, v4, vm0, $0xb8;
	[tilespmem:$0x16C00] =	vst v63  }
0x129: {  	s31 =	simm.s32 $0x10000  }
0x12a: {  	[tilespmem:s31], [sflag:$0x2] =	stream.indirect_vreg.gather [hbm4b:s1+s4], $0x80, v3, vm0, $0xb8;
	[tilespmem:$0x16C00] =	vst v63  }
0x12b: {  	v3 =	vld [tilespmem:s28+$0x0];
	_ =	sdelay $0x4  }
0x12c: {  	v46 =	vshrl.u32 v3, $0x3  }
0x12d: {  	v4 =	vmul.u32 $0x18, v46  }
0x12e: {  	v3 =	vand.u32 $0x7, v3  }
0x12f: {  	v3 =	vor.u32 v3, v4  }
0x130: {  	v4 =	vperm.xlane v3, v0;
	_ =	sdelay $0x1  }
0x131: {  	v3 =	vperm.xlane v3, v2;
	v4 =	vadd.s32 v1, v4;
	_ =	sdelay $0x1  }
0x132: {  	v3 =	vadd.s32 v1, v3;
	_ =	sdelay $0x1  }
0x133: {  	s31 =	simm.s32 $0x10C00  }
0x134: {  	[tilespmem:s31], [sflag:$0x2] =	stream.indirect_vreg.gather [hbm4b:s1+s4], $0x80, v4, vm0, $0xb8;
	[tilespmem:$0x16C00] =	vst v63  }
0x135: {  	s31 =	simm.s32 $0x11800  }
0x136: {  	[tilespmem:s31], [sflag:$0x2] =	stream.indirect_vreg.gather [hbm4b:s1+s4], $0x80, v3, vm0, $0xb8;
	[tilespmem:$0x16C00] =	vst v63  }
0x137: {  	v3 =	vld [tilespmem:s28+$0x10];
	_ =	sdelay $0x4  }
0x138: {  	v47 =	vshrl.u32 v3, $0x3  }
0x139: {  	v4 =	vmul.u32 $0x18, v47  }
0x13a: {  	v3 =	vand.u32 $0x7, v3  }
0x13b: {  	v3 =	vor.u32 v3, v4  }
0x13c: {  	v4 =	vperm.xlane v3, v0;
	_ =	sdelay $0x1  }
0x13d: {  	v3 =	vperm.xlane v3, v2;
	v4 =	vadd.s32 v1, v4;
	_ =	sdelay $0x1  }
0x13e: {  	v3 =	vadd.s32 v1, v3;
	_ =	sdelay $0x1  }
0x13f: {  	s31 =	simm.s32 $0x12400  }
0x140: {  	[tilespmem:s31], [sflag:$0x2] =	stream.indirect_vreg.gather [hbm4b:s1+s4], $0x80, v4, vm0, $0xb8;
	[tilespmem:$0x16C00] =	vst v63  }
0x141: {  	s31 =	simm.s32 $0x13000  }
0x142: {  	[tilespmem:s31], [sflag:$0x2] =	stream.indirect_vreg.gather [hbm4b:s1+s4], $0x80, v3, vm0, $0xb8;
	[tilespmem:$0x16C00] =	vst v63  }
0x143: {  	v3 =	vld [tilespmem:s28+$0x20];
	_ =	sdelay $0x4  }
0x144: {  	v48 =	vshrl.u32 v3, $0x3  }
0x145: {  	v4 =	vmul.u32 $0x18, v48  }
0x146: {  	v3 =	vand.u32 $0x7, v3  }
0x147: {  	v3 =	vor.u32 v3, v4  }
0x148: {  	v4 =	vperm.xlane v3, v0;
	_ =	sdelay $0x1  }
0x149: {  	v3 =	vperm.xlane v3, v2;
	v4 =	vadd.s32 v1, v4;
	_ =	sdelay $0x1  }
0x14a: {  	v3 =	vadd.s32 v1, v3;
	_ =	sdelay $0x1  }
0x14b: {  	s31 =	simm.s32 $0x13C00  }
0x14c: {  	[tilespmem:s31], [sflag:$0x2] =	stream.indirect_vreg.gather [hbm4b:s1+s4], $0x80, v4, vm0, $0xb8;
	[tilespmem:$0x16C00] =	vst v63  }
0x14d: {  	s31 =	simm.s32 $0x14800  }
0x14e: {  	[tilespmem:s31], [sflag:$0x2] =	stream.indirect_vreg.gather [hbm4b:s1+s4], $0x80, v3, vm0, $0xb8;
	[tilespmem:$0x16C00] =	vst v63  }
0x14f: {  	v3 =	vld [tilespmem:s28+$0x30];
	_ =	sdelay $0x4  }
0x150: {  	v49 =	vshrl.u32 v3, $0x3  }
0x151: {  	v4 =	vmul.u32 $0x18, v49  }
0x152: {  	v3 =	vand.u32 $0x7, v3  }
0x153: {  	v3 =	vor.u32 v3, v4  }
0x154: {  	v4 =	vperm.xlane v3, v0;
	_ =	sdelay $0x1  }
0x155: {  	v3 =	vperm.xlane v3, v2;
	v4 =	vadd.s32 v1, v4;
	_ =	sdelay $0x1  }
0x156: {  	v3 =	vadd.s32 v1, v3;
	_ =	sdelay $0x1  }
0x157: {  	s31 =	simm.s32 $0x15400  }
0x158: {  	[tilespmem:s31], [sflag:$0x2] =	stream.indirect_vreg.gather [hbm4b:s1+s4], $0x80, v4, vm0, $0xb8;
	[tilespmem:$0x16C00] =	vst v63  }
0x159: {  	s31 =	simm.s32 $0x16000  }
0x15a: {  	[tilespmem:s31], [sflag:$0x2] =	stream.indirect_vreg.gather [hbm4b:s1+s4], $0x80, v3, vm0, $0xb8;
	[tilespmem:$0x16C00] =	vst v63  }
0x15b: {  	v3 =	vld [tilespmem:s28+$0xFFFFFFD0];
	_ =	sdelay $0x4  }
0x15c: {  	v50 =	vshrl.u32 v3, $0x3  }
0x15d: {  	v4 =	vmul.u32 $0x18, v50  }
0x15e: {  	v3 =	vand.u32 $0x7, v3  }
0x15f: {  	v3 =	vor.u32 v3, v4  }
0x160: {  	v4 =	vperm.xlane v3, v0;
	_ =	sdelay $0x1  }
0x161: {  	v3 =	vperm.xlane v3, v2;
	v4 =	vadd.s32 v1, v4;
	_ =	sdelay $0x1  }
0x162: {  	v3 =	vadd.s32 v1, v3;
	_ =	sdelay $0x1  }
0x163: {  	s31 =	simm.s32 $0xC800  }
0x164: {  	[tilespmem:s31], [sflag:$0x2] =	stream.indirect_vreg.gather [hbm4b:s6+s4], $0x80, v4, vm0, $0xb8;
	[tilespmem:$0x16C00] =	vst v63  }
0x165: {  	s31 =	simm.s32 $0xD400  }
0x166: {  	[tilespmem:s31], [sflag:$0x2] =	stream.indirect_vreg.gather [hbm4b:s6+s4], $0x80, v3, vm0, $0xb8;
	[tilespmem:$0x16C00] =	vst v63  }
0x167: {  	v3 =	vld [tilespmem:s28+$0xFFFFFFE0];
	_ =	sdelay $0x4  }
0x168: {  	v51 =	vshrl.u32 v3, $0x3  }
0x169: {  	v4 =	vmul.u32 $0x18, v51  }
0x16a: {  	v3 =	vand.u32 $0x7, v3  }
0x16b: {  	v3 =	vor.u32 v3, v4  }
0x16c: {  	v4 =	vperm.xlane v3, v0;
	_ =	sdelay $0x1  }
0x16d: {  	v3 =	vperm.xlane v3, v2;
	v4 =	vadd.s32 v1, v4;
	_ =	sdelay $0x1  }
0x16e: {  	v3 =	vadd.s32 v1, v3;
	_ =	sdelay $0x1  }
0x16f: {  	s31 =	simm.s32 $0xE000  }
0x170: {  	[tilespmem:s31], [sflag:$0x2] =	stream.indirect_vreg.gather [hbm4b:s6+s4], $0x80, v4, vm0, $0xb8;
	[tilespmem:$0x16C00] =	vst v63  }
0x171: {  	s31 =	simm.s32 $0xEC00  }
0x172: {  	[tilespmem:s31], [sflag:$0x2] =	stream.indirect_vreg.gather [hbm4b:s6+s4], $0x80, v3, vm0, $0xb8;
	[tilespmem:$0x16C00] =	vst v63  }
0x173: {  	v3 =	vld [tilespmem:s28+$0xFFFFFFF0];
	_ =	sdelay $0x4  }
0x174: {  	v52 =	vshrl.u32 v3, $0x3  }
0x175: {  	v4 =	vmul.u32 $0x18, v52  }
0x176: {  	v3 =	vand.u32 $0x7, v3  }
0x177: {  	v3 =	vor.u32 v3, v4  }
0x178: {  	v4 =	vperm.xlane v3, v0;
	_ =	sdelay $0x1  }
0x179: {  	v3 =	vperm.xlane v3, v2;
	v4 =	vadd.s32 v1, v4;
	_ =	sdelay $0x1  }
0x17a: {  	v3 =	vadd.s32 v1, v3;
	_ =	sdelay $0x1  }
0x17b: {  	s31 =	simm.s32 $0xF800  }
0x17c: {  	[tilespmem:s31], [sflag:$0x2] =	stream.indirect_vreg.gather [hbm4b:s6+s4], $0x80, v4, vm0, $0xb8;
	[tilespmem:$0x16C00] =	vst v63  }
0x17d: {  	s31 =	simm.s32 $0x10400  }
0x17e: {  	[tilespmem:s31], [sflag:$0x2] =	stream.indirect_vreg.gather [hbm4b:s6+s4], $0x80, v3, vm0, $0xb8;
	[tilespmem:$0x16C00] =	vst v63  }
0x17f: {  	v3 =	vld [tilespmem:s28+$0x0];
	_ =	sdelay $0x4  }
0x180: {  	v53 =	vshrl.u32 v3, $0x3  }
0x181: {  	v4 =	vmul.u32 $0x18, v53  }
0x182: {  	v3 =	vand.u32 $0x7, v3  }
0x183: {  	v3 =	vor.u32 v3, v4  }
0x184: {  	v4 =	vperm.xlane v3, v0;
	_ =	sdelay $0x1  }
0x185: {  	v3 =	vperm.xlane v3, v2;
	v4 =	vadd.s32 v1, v4;
	_ =	sdelay $0x1  }
0x186: {  	v3 =	vadd.s32 v1, v3;
	_ =	sdelay $0x1  }
0x187: {  	s31 =	simm.s32 $0x11000  }
0x188: {  	[tilespmem:s31], [sflag:$0x2] =	stream.indirect_vreg.gather [hbm4b:s6+s4], $0x80, v4, vm0, $0xb8;
	[tilespmem:$0x16C00] =	vst v63  }
0x189: {  	s31 =	simm.s32 $0x11C00  }
0x18a: {  	[tilespmem:s31], [sflag:$0x2] =	stream.indirect_vreg.gather [hbm4b:s6+s4], $0x80, v3, vm0, $0xb8;
	[tilespmem:$0x16C00] =	vst v63  }
0x18b: {  	v3 =	vld [tilespmem:s28+$0x10];
	_ =	sdelay $0x4  }
0x18c: {  	v54 =	vshrl.u32 v3, $0x3  }
0x18d: {  	v4 =	vmul.u32 $0x18, v54  }
0x18e: {  	v3 =	vand.u32 $0x7, v3  }
0x18f: {  	v3 =	vor.u32 v3, v4  }
0x190: {  	v4 =	vperm.xlane v3, v0;
	_ =	sdelay $0x1  }
0x191: {  	v3 =	vperm.xlane v3, v2;
	v4 =	vadd.s32 v1, v4;
	_ =	sdelay $0x1  }
0x192: {  	v3 =	vadd.s32 v1, v3;
	_ =	sdelay $0x1  }
0x193: {  	s31 =	simm.s32 $0x12800  }
0x194: {  	[tilespmem:s31], [sflag:$0x2] =	stream.indirect_vreg.gather [hbm4b:s6+s4], $0x80, v4, vm0, $0xb8;
	[tilespmem:$0x16C00] =	vst v63  }
0x195: {  	s31 =	simm.s32 $0x13400  }
0x196: {  	[tilespmem:s31], [sflag:$0x2] =	stream.indirect_vreg.gather [hbm4b:s6+s4], $0x80, v3, vm0, $0xb8;
	[tilespmem:$0x16C00] =	vst v63  }
0x197: {  	v3 =	vld [tilespmem:s28+$0x20];
	_ =	sdelay $0x4  }
0x198: {  	v55 =	vshrl.u32 v3, $0x3  }
0x199: {  	v4 =	vmul.u32 $0x18, v55  }
0x19a: {  	v3 =	vand.u32 $0x7, v3  }
0x19b: {  	v3 =	vor.u32 v3, v4  }
0x19c: {  	v4 =	vperm.xlane v3, v0;
	_ =	sdelay $0x1  }
0x19d: {  	v3 =	vperm.xlane v3, v2;
	v4 =	vadd.s32 v1, v4;
	_ =	sdelay $0x1  }
0x19e: {  	v3 =	vadd.s32 v1, v3;
	_ =	sdelay $0x1  }
0x19f: {  	s31 =	simm.s32 $0x14000  }
0x1a0: {  	[tilespmem:s31], [sflag:$0x2] =	stream.indirect_vreg.gather [hbm4b:s6+s4], $0x80, v4, vm0, $0xb8;
	[tilespmem:$0x16C00] =	vst v63  }
0x1a1: {  	_ = 	snop  }
0x1a2: {  	[tilespmem:s3], [sflag:$0x2] =	stream.indirect_vreg.gather [hbm4b:s6+s4], $0x80, v3, vm0, $0xb8;
	[tilespmem:$0x16C00] =	vst v63  }
0x1a3: {  	v3 =	vld [tilespmem:s28+$0x30];
	_ =	sdelay $0x4  }
0x1a4: {  	v56 =	vshrl.u32 v3, $0x3  }
0x1a5: {  	v4 =	vmul.u32 $0x18, v56  }
0x1a6: {  	v3 =	vand.u32 $0x7, v3  }
0x1a7: {  	v3 =	vor.u32 v3, v4  }
0x1a8: {  	v4 =	vperm.xlane v3, v0;
	_ =	sdelay $0x1  }
0x1a9: {  	v3 =	vperm.xlane v3, v2;
	v4 =	vadd.s32 v1, v4;
	_ =	sdelay $0x1  }
0x1aa: {  	v3 =	vadd.s32 v1, v3;
	_ =	sdelay $0x2  }
0x1ab: {  	[tilespmem:s0], [sflag:$0x2] =	stream.indirect_vreg.gather [hbm4b:s6+s4], $0x80, v4, vm0, $0xb8;
	[tilespmem:$0x16C00] =	vst v63  }
0x1ac: {  	_ = 	snop  }
0x1ad: {  	[tilespmem:s5], [sflag:$0x2] =	stream.indirect_vreg.gather [hbm4b:s6+s4], $0x80, v3, vm0, $0xb8;
	[tilespmem:$0x16C00] =	vst v63  }
0x1ae: {  	v3 =	vld [tilespmem:s28+$0xFFFFFFD0];
	_ =	sdelay $0x4  }
0x1af: {  	v57 =	vperm.xlane v3, v0;
	_ =	sdelay $0x1  }
0x1b0: {  	v3 =	vperm.xlane v3, v2;
	v4 =	vadd.s32 v1, v57;
	_ =	sdelay $0x1  }
0x1b1: {  	v3 =	vadd.s32 v1, v3;
	_ =	sdelay $0x2  }
0x1b2: {  	[tilespmem:s7], [sflag:$0x2] =	stream.indirect_vreg.gather [hbm4b:s2+s4], $0x80, v4, vm0, $0xb8;
	[tilespmem:$0x16C00] =	vst v63  }
0x1b3: {  	_ = 	snop  }
0x1b4: {  	[tilespmem:s10], [sflag:$0x2] =	stream.indirect_vreg.gather [hbm4b:s2+s4], $0x80, v3, vm0, $0xb8;
	[tilespmem:$0x16C00] =	vst v63  }
0x1b5: {  	v3 =	vld [tilespmem:s28+$0xFFFFFFE0];
	_ =	sdelay $0x4  }
0x1b6: {  	v58 =	vperm.xlane v3, v0;
	_ =	sdelay $0x1  }
0x1b7: {  	v3 =	vperm.xlane v3, v2;
	v4 =	vadd.s32 v1, v58;
	_ =	sdelay $0x1  }
0x1b8: {  	v3 =	vadd.s32 v1, v3;
	_ =	sdelay $0x2  }
0x1b9: {  	[tilespmem:s12], [sflag:$0x2] =	stream.indirect_vreg.gather [hbm4b:s2+s4], $0x80, v4, vm0, $0xb8;
	[tilespmem:$0x16C00] =	vst v63  }
0x1ba: {  	_ = 	snop  }
0x1bb: {  	[tilespmem:s13], [sflag:$0x2] =	stream.indirect_vreg.gather [hbm4b:s2+s4], $0x80, v3, vm0, $0xb8;
	[tilespmem:$0x16C00] =	vst v63  }
0x1bc: {  	v3 =	vld [tilespmem:s28+$0xFFFFFFF0];
	_ =	sdelay $0x4  }
0x1bd: {  	v59 =	vperm.xlane v3, v0;
	_ =	sdelay $0x1  }
0x1be: {  	v3 =	vperm.xlane v3, v2;
	v4 =	vadd.s32 v1, v59;
	_ =	sdelay $0x1  }
0x1bf: {  	v3 =	vadd.s32 v1, v3;
	_ =	sdelay $0x2  }
0x1c0: {  	[tilespmem:s14], [sflag:$0x2] =	stream.indirect_vreg.gather [hbm4b:s2+s4], $0x80, v4, vm0, $0xb8;
	[tilespmem:$0x16C00] =	vst v63  }
0x1c1: {  	_ = 	snop  }
0x1c2: {  	[tilespmem:s15], [sflag:$0x2] =	stream.indirect_vreg.gather [hbm4b:s2+s4], $0x80, v3, vm0, $0xb8;
	[tilespmem:$0x16C00] =	vst v63  }
0x1c3: {  	v3 =	vld [tilespmem:s28+$0x0];
	_ =	sdelay $0x4  }
0x1c4: {  	v60 =	vperm.xlane v3, v0;
	_ =	sdelay $0x1  }
0x1c5: {  	v3 =	vperm.xlane v3, v2;
	v4 =	vadd.s32 v1, v60;
	_ =	sdelay $0x1  }
0x1c6: {  	v3 =	vadd.s32 v1, v3;
	_ =	sdelay $0x2  }
0x1c7: {  	[tilespmem:s16], [sflag:$0x2] =	stream.indirect_vreg.gather [hbm4b:s2+s4], $0x80, v4, vm0, $0xb8;
	[tilespmem:$0x16C00] =	vst v63  }
0x1c8: {  	_ = 	snop  }
0x1c9: {  	[tilespmem:s17], [sflag:$0x2] =	stream.indirect_vreg.gather [hbm4b:s2+s4], $0x80, v3, vm0, $0xb8;
	[tilespmem:$0x16C00] =	vst v63  }
0x1ca: {  	v3 =	vld [tilespmem:s28+$0x10];
	_ =	sdelay $0x4  }
0x1cb: {  	v61 =	vperm.xlane v3, v0;
	_ =	sdelay $0x1  }
0x1cc: {  	v3 =	vperm.xlane v3, v2;
	v4 =	vadd.s32 v1, v61;
	_ =	sdelay $0x1  }
0x1cd: {  	v3 =	vadd.s32 v1, v3;
	_ =	sdelay $0x2  }
0x1ce: {  	[tilespmem:s18], [sflag:$0x2] =	stream.indirect_vreg.gather [hbm4b:s2+s4], $0x80, v4, vm0, $0xb8;
	[tilespmem:$0x16C00] =	vst v63  }
0x1cf: {  	_ = 	snop  }
0x1d0: {  	[tilespmem:s19], [sflag:$0x2] =	stream.indirect_vreg.gather [hbm4b:s2+s4], $0x80, v3, vm0, $0xb8;
	[tilespmem:$0x16C00] =	vst v63  }
0x1d1: {  	v3 =	vld [tilespmem:s28+$0x20];
	_ =	sdelay $0x4  }
0x1d2: {  	v62 =	vperm.xlane v3, v0;
	_ =	sdelay $0x1  }
0x1d3: {  	v3 =	vperm.xlane v3, v2;
	v4 =	vadd.s32 v1, v62;
	_ =	sdelay $0x1  }
0x1d4: {  	v3 =	vadd.s32 v1, v3;
	_ =	sdelay $0x2  }
0x1d5: {  	[tilespmem:s20], [sflag:$0x2] =	stream.indirect_vreg.gather [hbm4b:s2+s4], $0x80, v4, vm0, $0xb8;
	[tilespmem:$0x16C00] =	vst v63  }
0x1d6: {  	_ = 	snop  }
0x1d7: {  	[tilespmem:s21], [sflag:$0x2] =	stream.indirect_vreg.gather [hbm4b:s2+s4], $0x80, v3, vm0, $0xb8;
	[tilespmem:$0x16C00] =	vst v63  }
0x1d8: {  	v3 =	vld [tilespmem:s28+$0x30];
	_ =	sdelay $0x4  }
0x1d9: {  	v63 =	vperm.xlane v3, v0;
	_ =	sdelay $0x1  }
0x1da: {  	v3 =	vperm.xlane v3, v2;
	v4 =	vadd.s32 v1, v63;
	_ =	sdelay $0x1  }
0x1db: {  	v3 =	vadd.s32 v1, v3;
	_ =	sdelay $0x2  }
0x1dc: {  	[tilespmem:s22], [sflag:$0x2] =	stream.indirect_vreg.gather [hbm4b:s2+s4], $0x80, v4, vm0, $0xb8;
	[tilespmem:$0x16C00] =	vst v63  }
0x1dd: {  	_ = 	snop  }
0x1de: {  	[tilespmem:s23], [sflag:$0x2] =	stream.indirect_vreg.gather [hbm4b:s2+s4], $0x80, v3, vm0, $0xb8;
	[tilespmem:$0x16C00] =	vst v63  }
0x1df: {  	_ =	swait.ge [sflag:s24], $0x3800  }
0x1e0: {  	[sflag:s24] =	ssyncset.done $0x0  }
0x1e1: {  	[sflag:s24] =	ssyncadd.s32 $0xFFFFC800  }
0x1e2: {  	_ =	swait.ge [sflag:s24], $0x3800  }
0x1e3: {  	[sflag:s24] =	ssyncset.done $0x0  }
0x1e4: {  	[sflag:s24] =	ssyncadd.s32 $0xFFFFC800  }
0x1e5: {  	_ =	swait.ge [sflag:s24], $0x3800  }
0x1e6: {  	[sflag:s24] =	ssyncset.done $0x0  }
0x1e7: {  	s31 =	sadd.s32 s29, s9;
	[sflag:s24] =	ssyncadd.s32 $0xFFFFC800  }
0x1e8: {  	[hbm4b:s31+s4] =	stream.linear.scatter [tilespmem:s11], [sflag:$0x3], $0xA800, $0x38;
	[tilespmem:$0x16C00] =	vst v63  }
0x1e9: {  	_ =	swait.ge [sflag:s25], $0x3800  }
0x1ea: {  	[sflag:s25] =	ssyncset.done $0x0  }
0x1eb: {  	[sflag:s25] =	ssyncadd.s32 $0xFFFFC800  }
0x1ec: {  	_ =	swait.ge [sflag:s25], $0x3800  }
0x1ed: {  	[sflag:s25] =	ssyncset.done $0x0  }
0x1ee: {  	[sflag:s25] =	ssyncadd.s32 $0xFFFFC800  }
0x1ef: {  	p0 =	seq.s32 s29, $0x51600;
	_ =	swait.ge [sflag:s25], $0x3800  }
.Ltmp4:
0x1f0: {  	[sflag:s25] =	ssyncset.done $0x0;
	(pc) =	sbr.rel @p0 .LBB2_4-.Ltmp4, $4  }
0x1f1: {  	[sflag:s25] =	ssyncadd.s32 $0xFFFFC800  }
0x1f2: {  	_ =	swait.ge [sflag:s26], $0xA800  }
0x1f3: {  	[sflag:s26] =	ssyncset.done $0x0  }
0x1f4: {  	[sflag:s26] =	ssyncadd.s32 $0xFFFF5800  }
0x1f5: {  	v3 =	vld [tilespmem:s28+$0x40];
	_ =	sdelay $0x4  }
0x1f6: {  	v4 =	vshrl.u32 v3, $0x3  }
0x1f7: {  	v4 =	vmul.u32 $0x18, v4  }
0x1f8: {  	v3 =	vand.u32 $0x7, v3  }
0x1f9: {  	v3 =	vor.u32 v3, v4  }
0x1fa: {  	v4 =	vperm.xlane v3, v0;
	_ =	sdelay $0x1  }
0x1fb: {  	v3 =	vperm.xlane v3, v2;
	v4 =	vadd.s32 v1, v4;
	_ =	sdelay $0x1  }
0x1fc: {  	v3 =	vadd.s32 v1, v3;
	_ =	sdelay $0x2  }
0x1fd: {  	[tilespmem:s11], [sflag:$0x1] =	stream.indirect_vreg.gather [hbm4b:s1+s4], $0x80, v4, vm0, $0xb8;
	[tilespmem:$0x16C00] =	vst v63  }
0x1fe: {  	s31 =	simm.s32 $0x2800  }
0x1ff: {  	[tilespmem:s31], [sflag:$0x1] =	stream.indirect_vreg.gather [hbm4b:s1+s4], $0x80, v3, vm0, $0xb8;
	[tilespmem:$0x16C00] =	vst v63  }
0x200: {  	v3 =	vld [tilespmem:s28+$0x50];
	_ =	sdelay $0x4  }
0x201: {  	v44 =	vshrl.u32 v3, $0x3  }
0x202: {  	v4 =	vmul.u32 $0x18, v44  }
0x203: {  	v3 =	vand.u32 $0x7, v3  }
0x204: {  	v3 =	vor.u32 v3, v4  }
0x205: {  	v4 =	vperm.xlane v3, v0;
	_ =	sdelay $0x1  }
0x206: {  	v3 =	vperm.xlane v3, v2;
	v4 =	vadd.s32 v1, v4;
	_ =	sdelay $0x1  }
0x207: {  	v3 =	vadd.s32 v1, v3;
	_ =	sdelay $0x1  }
0x208: {  	s31 =	simm.s32 $0x3400  }
0x209: {  	[tilespmem:s31], [sflag:$0x1] =	stream.indirect_vreg.gather [hbm4b:s1+s4], $0x80, v4, vm0, $0xb8;
	[tilespmem:$0x16C00] =	vst v63  }
0x20a: {  	s31 =	simm.s32 $0x4000  }
0x20b: {  	[tilespmem:s31], [sflag:$0x1] =	stream.indirect_vreg.gather [hbm4b:s1+s4], $0x80, v3, vm0, $0xb8;
	[tilespmem:$0x16C00] =	vst v63  }
0x20c: {  	v3 =	vld [tilespmem:s28+$0x60];
	_ =	sdelay $0x4  }
0x20d: {  	v45 =	vshrl.u32 v3, $0x3  }
0x20e: {  	v4 =	vmul.u32 $0x18, v45  }
0x20f: {  	v3 =	vand.u32 $0x7, v3  }
0x210: {  	v3 =	vor.u32 v3, v4  }
0x211: {  	v4 =	vperm.xlane v3, v0;
	_ =	sdelay $0x1  }
0x212: {  	v3 =	vperm.xlane v3, v2;
	v4 =	vadd.s32 v1, v4;
	_ =	sdelay $0x1  }
0x213: {  	v3 =	vadd.s32 v1, v3;
	_ =	sdelay $0x1  }
0x214: {  	s31 =	simm.s32 $0x4C00  }
0x215: {  	[tilespmem:s31], [sflag:$0x1] =	stream.indirect_vreg.gather [hbm4b:s1+s4], $0x80, v4, vm0, $0xb8;
	[tilespmem:$0x16C00] =	vst v63  }
0x216: {  	s31 =	simm.s32 $0x5800  }
0x217: {  	[tilespmem:s31], [sflag:$0x1] =	stream.indirect_vreg.gather [hbm4b:s1+s4], $0x80, v3, vm0, $0xb8;
	[tilespmem:$0x16C00] =	vst v63  }
0x218: {  	v3 =	vld [tilespmem:s28+$0x70];
	_ =	sdelay $0x4  }
0x219: {  	v46 =	vshrl.u32 v3, $0x3  }
0x21a: {  	v4 =	vmul.u32 $0x18, v46  }
0x21b: {  	v3 =	vand.u32 $0x7, v3  }
0x21c: {  	v3 =	vor.u32 v3, v4  }
0x21d: {  	v4 =	vperm.xlane v3, v0;
	_ =	sdelay $0x1  }
0x21e: {  	v3 =	vperm.xlane v3, v2;
	v4 =	vadd.s32 v1, v4;
	_ =	sdelay $0x1  }
0x21f: {  	v3 =	vadd.s32 v1, v3;
	_ =	sdelay $0x1  }
0x220: {  	s31 =	simm.s32 $0x6400  }
0x221: {  	[tilespmem:s31], [sflag:$0x1] =	stream.indirect_vreg.gather [hbm4b:s1+s4], $0x80, v4, vm0, $0xb8;
	[tilespmem:$0x16C00] =	vst v63  }
0x222: {  	s31 =	simm.s32 $0x7000  }
0x223: {  	[tilespmem:s31], [sflag:$0x1] =	stream.indirect_vreg.gather [hbm4b:s1+s4], $0x80, v3, vm0, $0xb8;
	[tilespmem:$0x16C00] =	vst v63  }
0x224: {  	v3 =	vld [tilespmem:s28+$0x80];
	_ =	sdelay $0x4  }
0x225: {  	v47 =	vshrl.u32 v3, $0x3  }
0x226: {  	v4 =	vmul.u32 $0x18, v47  }
0x227: {  	v3 =	vand.u32 $0x7, v3  }
0x228: {  	v3 =	vor.u32 v3, v4  }
0x229: {  	v4 =	vperm.xlane v3, v0;
	_ =	sdelay $0x1  }
0x22a: {  	v3 =	vperm.xlane v3, v2;
	v4 =	vadd.s32 v1, v4;
	_ =	sdelay $0x1  }
0x22b: {  	v3 =	vadd.s32 v1, v3;
	_ =	sdelay $0x1  }
0x22c: {  	s31 =	simm.s32 $0x7C00  }
0x22d: {  	[tilespmem:s31], [sflag:$0x1] =	stream.indirect_vreg.gather [hbm4b:s1+s4], $0x80, v4, vm0, $0xb8;
	[tilespmem:$0x16C00] =	vst v63  }
0x22e: {  	s31 =	simm.s32 $0x8800  }
0x22f: {  	[tilespmem:s31], [sflag:$0x1] =	stream.indirect_vreg.gather [hbm4b:s1+s4], $0x80, v3, vm0, $0xb8;
	[tilespmem:$0x16C00] =	vst v63  }
0x230: {  	v3 =	vld [tilespmem:s28+$0x90];
	_ =	sdelay $0x4  }
0x231: {  	v48 =	vshrl.u32 v3, $0x3  }
0x232: {  	v4 =	vmul.u32 $0x18, v48  }
0x233: {  	v3 =	vand.u32 $0x7, v3  }
0x234: {  	v3 =	vor.u32 v3, v4  }
0x235: {  	v4 =	vperm.xlane v3, v0;
	_ =	sdelay $0x1  }
0x236: {  	v3 =	vperm.xlane v3, v2;
	v4 =	vadd.s32 v1, v4;
	_ =	sdelay $0x1  }
0x237: {  	v3 =	vadd.s32 v1, v3;
	_ =	sdelay $0x1  }
0x238: {  	s31 =	simm.s32 $0x9400  }
0x239: {  	[tilespmem:s31], [sflag:$0x1] =	stream.indirect_vreg.gather [hbm4b:s1+s4], $0x80, v4, vm0, $0xb8;
	[tilespmem:$0x16C00] =	vst v63  }
0x23a: {  	s31 =	simm.s32 $0xA000  }
0x23b: {  	[tilespmem:s31], [sflag:$0x1] =	stream.indirect_vreg.gather [hbm4b:s1+s4], $0x80, v3, vm0, $0xb8;
	[tilespmem:$0x16C00] =	vst v63  }
0x23c: {  	v3 =	vld [tilespmem:s28+$0xA0];
	_ =	sdelay $0x4  }
0x23d: {  	v49 =	vshrl.u32 v3, $0x3  }
0x23e: {  	v4 =	vmul.u32 $0x18, v49  }
0x23f: {  	v3 =	vand.u32 $0x7, v3  }
0x240: {  	v3 =	vor.u32 v3, v4  }
0x241: {  	v4 =	vperm.xlane v3, v0;
	_ =	sdelay $0x1  }
0x242: {  	v3 =	vperm.xlane v3, v2;
	v4 =	vadd.s32 v1, v4;
	_ =	sdelay $0x1  }
0x243: {  	v3 =	vadd.s32 v1, v3;
	_ =	sdelay $0x1  }
0x244: {  	s31 =	simm.s32 $0xAC00  }
0x245: {  	[tilespmem:s31], [sflag:$0x1] =	stream.indirect_vreg.gather [hbm4b:s1+s4], $0x80, v4, vm0, $0xb8;
	[tilespmem:$0x16C00] =	vst v63  }
0x246: {  	s31 =	simm.s32 $0xB800  }
0x247: {  	[tilespmem:s31], [sflag:$0x1] =	stream.indirect_vreg.gather [hbm4b:s1+s4], $0x80, v3, vm0, $0xb8;
	[tilespmem:$0x16C00] =	vst v63  }
0x248: {  	v3 =	vld [tilespmem:s28+$0x40];
	_ =	sdelay $0x4  }
0x249: {  	v50 =	vshrl.u32 v3, $0x3  }
0x24a: {  	v4 =	vmul.u32 $0x18, v50  }
0x24b: {  	v3 =	vand.u32 $0x7, v3  }
0x24c: {  	v3 =	vor.u32 v3, v4  }
0x24d: {  	v4 =	vperm.xlane v3, v0;
	_ =	sdelay $0x1  }
0x24e: {  	v3 =	vperm.xlane v3, v2;
	v4 =	vadd.s32 v1, v4;
	_ =	sdelay $0x1  }
0x24f: {  	v3 =	vadd.s32 v1, v3;
	_ =	sdelay $0x1  }
0x250: {  	s31 =	simm.s32 $0x2000  }
0x251: {  	[tilespmem:s31], [sflag:$0x1] =	stream.indirect_vreg.gather [hbm4b:s6+s4], $0x80, v4, vm0, $0xb8;
	[tilespmem:$0x16C00] =	vst v63  }
0x252: {  	s31 =	simm.s32 $0x2C00  }
0x253: {  	[tilespmem:s31], [sflag:$0x1] =	stream.indirect_vreg.gather [hbm4b:s6+s4], $0x80, v3, vm0, $0xb8;
	[tilespmem:$0x16C00] =	vst v63  }
0x254: {  	v3 =	vld [tilespmem:s28+$0x50];
	_ =	sdelay $0x4  }
0x255: {  	v51 =	vshrl.u32 v3, $0x3  }
0x256: {  	v4 =	vmul.u32 $0x18, v51  }
0x257: {  	v3 =	vand.u32 $0x7, v3  }
0x258: {  	v3 =	vor.u32 v3, v4  }
0x259: {  	v4 =	vperm.xlane v3, v0;
	_ =	sdelay $0x1  }
0x25a: {  	v3 =	vperm.xlane v3, v2;
	v4 =	vadd.s32 v1, v4;
	_ =	sdelay $0x1  }
0x25b: {  	v3 =	vadd.s32 v1, v3;
	_ =	sdelay $0x1  }
0x25c: {  	s31 =	simm.s32 $0x3800  }
0x25d: {  	[tilespmem:s31], [sflag:$0x1] =	stream.indirect_vreg.gather [hbm4b:s6+s4], $0x80, v4, vm0, $0xb8;
	[tilespmem:$0x16C00] =	vst v63  }
0x25e: {  	s31 =	simm.s32 $0x4400  }
0x25f: {  	[tilespmem:s31], [sflag:$0x1] =	stream.indirect_vreg.gather [hbm4b:s6+s4], $0x80, v3, vm0, $0xb8;
	[tilespmem:$0x16C00] =	vst v63  }
0x260: {  	v3 =	vld [tilespmem:s28+$0x60];
	_ =	sdelay $0x4  }
0x261: {  	v52 =	vshrl.u32 v3, $0x3  }
0x262: {  	v4 =	vmul.u32 $0x18, v52  }
0x263: {  	v3 =	vand.u32 $0x7, v3  }
0x264: {  	v3 =	vor.u32 v3, v4  }
0x265: {  	v4 =	vperm.xlane v3, v0;
	_ =	sdelay $0x1  }
0x266: {  	v3 =	vperm.xlane v3, v2;
	v4 =	vadd.s32 v1, v4;
	_ =	sdelay $0x1  }
0x267: {  	v3 =	vadd.s32 v1, v3;
	_ =	sdelay $0x1  }
0x268: {  	s31 =	simm.s32 $0x5000  }
0x269: {  	[tilespmem:s31], [sflag:$0x1] =	stream.indirect_vreg.gather [hbm4b:s6+s4], $0x80, v4, vm0, $0xb8;
	[tilespmem:$0x16C00] =	vst v63  }
0x26a: {  	s31 =	simm.s32 $0x5C00  }
0x26b: {  	[tilespmem:s31], [sflag:$0x1] =	stream.indirect_vreg.gather [hbm4b:s6+s4], $0x80, v3, vm0, $0xb8;
	[tilespmem:$0x16C00] =	vst v63  }
0x26c: {  	v3 =	vld [tilespmem:s28+$0x70];
	_ =	sdelay $0x4  }
0x26d: {  	v53 =	vshrl.u32 v3, $0x3  }
0x26e: {  	v4 =	vmul.u32 $0x18, v53  }
0x26f: {  	v3 =	vand.u32 $0x7, v3  }
0x270: {  	v3 =	vor.u32 v3, v4  }
0x271: {  	v4 =	vperm.xlane v3, v0;
	_ =	sdelay $0x1  }
0x272: {  	v3 =	vperm.xlane v3, v2;
	v4 =	vadd.s32 v1, v4;
	_ =	sdelay $0x1  }
0x273: {  	v3 =	vadd.s32 v1, v3;
	_ =	sdelay $0x1  }
0x274: {  	s31 =	simm.s32 $0x6800  }
0x275: {  	[tilespmem:s31], [sflag:$0x1] =	stream.indirect_vreg.gather [hbm4b:s6+s4], $0x80, v4, vm0, $0xb8;
	[tilespmem:$0x16C00] =	vst v63  }
0x276: {  	s31 =	simm.s32 $0x7400  }
0x277: {  	[tilespmem:s31], [sflag:$0x1] =	stream.indirect_vreg.gather [hbm4b:s6+s4], $0x80, v3, vm0, $0xb8;
	[tilespmem:$0x16C00] =	vst v63  }
0x278: {  	v3 =	vld [tilespmem:s28+$0x80];
	_ =	sdelay $0x4  }
0x279: {  	v54 =	vshrl.u32 v3, $0x3  }
0x27a: {  	v4 =	vmul.u32 $0x18, v54  }
0x27b: {  	v3 =	vand.u32 $0x7, v3  }
0x27c: {  	v3 =	vor.u32 v3, v4  }
0x27d: {  	v4 =	vperm.xlane v3, v0;
	_ =	sdelay $0x1  }
0x27e: {  	v3 =	vperm.xlane v3, v2;
	v4 =	vadd.s32 v1, v4;
	_ =	sdelay $0x1  }
0x27f: {  	v3 =	vadd.s32 v1, v3;
	_ =	sdelay $0x1  }
0x280: {  	s31 =	simm.s32 $0x8000  }
0x281: {  	[tilespmem:s31], [sflag:$0x1] =	stream.indirect_vreg.gather [hbm4b:s6+s4], $0x80, v4, vm0, $0xb8;
	[tilespmem:$0x16C00] =	vst v63  }
0x282: {  	s31 =	simm.s32 $0x8C00  }
0x283: {  	[tilespmem:s31], [sflag:$0x1] =	stream.indirect_vreg.gather [hbm4b:s6+s4], $0x80, v3, vm0, $0xb8;
	[tilespmem:$0x16C00] =	vst v63  }
0x284: {  	v3 =	vld [tilespmem:s28+$0x90];
	_ =	sdelay $0x4  }
0x285: {  	v55 =	vshrl.u32 v3, $0x3  }
0x286: {  	v4 =	vmul.u32 $0x18, v55  }
0x287: {  	v3 =	vand.u32 $0x7, v3  }
0x288: {  	v3 =	vor.u32 v3, v4  }
0x289: {  	v4 =	vperm.xlane v3, v0;
	_ =	sdelay $0x1  }
0x28a: {  	v3 =	vperm.xlane v3, v2;
	v4 =	vadd.s32 v1, v4;
	_ =	sdelay $0x1  }
0x28b: {  	v3 =	vadd.s32 v1, v3;
	_ =	sdelay $0x1  }
0x28c: {  	s31 =	simm.s32 $0x9800  }
0x28d: {  	[tilespmem:s31], [sflag:$0x1] =	stream.indirect_vreg.gather [hbm4b:s6+s4], $0x80, v4, vm0, $0xb8;
	[tilespmem:$0x16C00] =	vst v63  }
0x28e: {  	s31 =	simm.s32 $0xA400  }
0x28f: {  	[tilespmem:s31], [sflag:$0x1] =	stream.indirect_vreg.gather [hbm4b:s6+s4], $0x80, v3, vm0, $0xb8;
	[tilespmem:$0x16C00] =	vst v63  }
0x290: {  	v3 =	vld [tilespmem:s28+$0xA0];
	_ =	sdelay $0x4  }
0x291: {  	v56 =	vshrl.u32 v3, $0x3  }
0x292: {  	v4 =	vmul.u32 $0x18, v56  }
0x293: {  	v3 =	vand.u32 $0x7, v3  }
0x294: {  	v3 =	vor.u32 v3, v4  }
0x295: {  	v4 =	vperm.xlane v3, v0;
	_ =	sdelay $0x1  }
0x296: {  	v3 =	vperm.xlane v3, v2;
	v4 =	vadd.s32 v1, v4;
	_ =	sdelay $0x1  }
0x297: {  	v3 =	vadd.s32 v1, v3;
	_ =	sdelay $0x1  }
0x298: {  	s31 =	simm.s32 $0xB000  }
0x299: {  	[tilespmem:s31], [sflag:$0x1] =	stream.indirect_vreg.gather [hbm4b:s6+s4], $0x80, v4, vm0, $0xb8;
	[tilespmem:$0x16C00] =	vst v63  }
0x29a: {  	s31 =	simm.s32 $0xBC00  }
0x29b: {  	[tilespmem:s31], [sflag:$0x1] =	stream.indirect_vreg.gather [hbm4b:s6+s4], $0x80, v3, vm0, $0xb8;
	[tilespmem:$0x16C00] =	vst v63  }
0x29c: {  	v3 =	vld [tilespmem:s28+$0x40];
	_ =	sdelay $0x4  }
0x29d: {  	v57 =	vperm.xlane v3, v0;
	_ =	sdelay $0x1  }
0x29e: {  	v3 =	vperm.xlane v3, v2;
	v4 =	vadd.s32 v1, v57;
	_ =	sdelay $0x1  }
0x29f: {  	v3 =	vadd.s32 v1, v3;
	_ =	sdelay $0x1  }
0x2a0: {  	s31 =	simm.s32 $0x2400  }
0x2a1: {  	[tilespmem:s31], [sflag:$0x1] =	stream.indirect_vreg.gather [hbm4b:s2+s4], $0x80, v4, vm0, $0xb8;
	[tilespmem:$0x16C00] =	vst v63  }
0x2a2: {  	s31 =	simm.s32 $0x3000  }
0x2a3: {  	[tilespmem:s31], [sflag:$0x1] =	stream.indirect_vreg.gather [hbm4b:s2+s4], $0x80, v3, vm0, $0xb8;
	[tilespmem:$0x16C00] =	vst v63  }
0x2a4: {  	v3 =	vld [tilespmem:s28+$0x50];
	_ =	sdelay $0x4  }
0x2a5: {  	v58 =	vperm.xlane v3, v0;
	_ =	sdelay $0x1  }
0x2a6: {  	v3 =	vperm.xlane v3, v2;
	v4 =	vadd.s32 v1, v58;
	_ =	sdelay $0x1  }
0x2a7: {  	v3 =	vadd.s32 v1, v3;
	_ =	sdelay $0x1  }
0x2a8: {  	s31 =	simm.s32 $0x3C00  }
0x2a9: {  	[tilespmem:s31], [sflag:$0x1] =	stream.indirect_vreg.gather [hbm4b:s2+s4], $0x80, v4, vm0, $0xb8;
	[tilespmem:$0x16C00] =	vst v63  }
0x2aa: {  	s31 =	simm.s32 $0x4800  }
0x2ab: {  	[tilespmem:s31], [sflag:$0x1] =	stream.indirect_vreg.gather [hbm4b:s2+s4], $0x80, v3, vm0, $0xb8;
	[tilespmem:$0x16C00] =	vst v63  }
0x2ac: {  	v3 =	vld [tilespmem:s28+$0x60];
	_ =	sdelay $0x4  }
0x2ad: {  	v59 =	vperm.xlane v3, v0;
	_ =	sdelay $0x1  }
0x2ae: {  	v3 =	vperm.xlane v3, v2;
	v4 =	vadd.s32 v1, v59;
	_ =	sdelay $0x1  }
0x2af: {  	v3 =	vadd.s32 v1, v3;
	_ =	sdelay $0x1  }
0x2b0: {  	s31 =	simm.s32 $0x5400  }
0x2b1: {  	[tilespmem:s31], [sflag:$0x1] =	stream.indirect_vreg.gather [hbm4b:s2+s4], $0x80, v4, vm0, $0xb8;
	[tilespmem:$0x16C00] =	vst v63  }
0x2b2: {  	s31 =	simm.s32 $0x6000  }
0x2b3: {  	[tilespmem:s31], [sflag:$0x1] =	stream.indirect_vreg.gather [hbm4b:s2+s4], $0x80, v3, vm0, $0xb8;
	[tilespmem:$0x16C00] =	vst v63  }
0x2b4: {  	v3 =	vld [tilespmem:s28+$0x70];
	_ =	sdelay $0x4  }
0x2b5: {  	v60 =	vperm.xlane v3, v0;
	_ =	sdelay $0x1  }
0x2b6: {  	v3 =	vperm.xlane v3, v2;
	v4 =	vadd.s32 v1, v60;
	_ =	sdelay $0x1  }
0x2b7: {  	v3 =	vadd.s32 v1, v3;
	_ =	sdelay $0x1  }
0x2b8: {  	s31 =	simm.s32 $0x6C00  }
0x2b9: {  	[tilespmem:s31], [sflag:$0x1] =	stream.indirect_vreg.gather [hbm4b:s2+s4], $0x80, v4, vm0, $0xb8;
	[tilespmem:$0x16C00] =	vst v63  }
0x2ba: {  	s31 =	simm.s32 $0x7800  }
0x2bb: {  	[tilespmem:s31], [sflag:$0x1] =	stream.indirect_vreg.gather [hbm4b:s2+s4], $0x80, v3, vm0, $0xb8;
	[tilespmem:$0x16C00] =	vst v63  }
0x2bc: {  	v3 =	vld [tilespmem:s28+$0x80];
	_ =	sdelay $0x4  }
0x2bd: {  	v61 =	vperm.xlane v3, v0;
	_ =	sdelay $0x1  }
0x2be: {  	v3 =	vperm.xlane v3, v2;
	v4 =	vadd.s32 v1, v61;
	_ =	sdelay $0x1  }
0x2bf: {  	v3 =	vadd.s32 v1, v3;
	_ =	sdelay $0x1  }
0x2c0: {  	s31 =	simm.s32 $0x8400  }
0x2c1: {  	[tilespmem:s31], [sflag:$0x1] =	stream.indirect_vreg.gather [hbm4b:s2+s4], $0x80, v4, vm0, $0xb8;
	[tilespmem:$0x16C00] =	vst v63  }
0x2c2: {  	s31 =	simm.s32 $0x9000  }
0x2c3: {  	[tilespmem:s31], [sflag:$0x1] =	stream.indirect_vreg.gather [hbm4b:s2+s4], $0x80, v3, vm0, $0xb8;
	[tilespmem:$0x16C00] =	vst v63  }
0x2c4: {  	v3 =	vld [tilespmem:s28+$0x90];
	_ =	sdelay $0x4  }
0x2c5: {  	v62 =	vperm.xlane v3, v0;
	_ =	sdelay $0x1  }
0x2c6: {  	v3 =	vperm.xlane v3, v2;
	v4 =	vadd.s32 v1, v62;
	_ =	sdelay $0x1  }
0x2c7: {  	v3 =	vadd.s32 v1, v3;
	_ =	sdelay $0x1  }
0x2c8: {  	s31 =	simm.s32 $0x9C00  }
0x2c9: {  	[tilespmem:s31], [sflag:$0x1] =	stream.indirect_vreg.gather [hbm4b:s2+s4], $0x80, v4, vm0, $0xb8;
	[tilespmem:$0x16C00] =	vst v63  }
0x2ca: {  	s31 =	simm.s32 $0xA800  }
0x2cb: {  	[tilespmem:s31], [sflag:$0x1] =	stream.indirect_vreg.gather [hbm4b:s2+s4], $0x80, v3, vm0, $0xb8;
	[tilespmem:$0x16C00] =	vst v63  }
0x2cc: {  	v3 =	vld [tilespmem:s28+$0xA0];
	_ =	sdelay $0x4  }
0x2cd: {  	v63 =	vperm.xlane v3, v0;
	_ =	sdelay $0x1  }
0x2ce: {  	v3 =	vperm.xlane v3, v2;
	v4 =	vadd.s32 v1, v63;
	_ =	sdelay $0x1  }
0x2cf: {  	v3 =	vadd.s32 v1, v3  }
.Ltmp5:
0x2d0: {  	_ = 	snop;
	(pc) =	sbr.rel .LBB2_4-.Ltmp5, $4  }
0x2d1: {  	s31 =	simm.s32 $0xB400  }
0x2d2: {  	[tilespmem:s31], [sflag:$0x1] =	stream.indirect_vreg.gather [hbm4b:s2+s4], $0x80, v4, vm0, $0xb8;
	[tilespmem:$0x16C00] =	vst v63  }
0x2d3: {  	s31 =	simm.s32 $0xC000  }
0x2d4: {  	[tilespmem:s31], [sflag:$0x1] =	stream.indirect_vreg.gather [hbm4b:s2+s4], $0x80, v3, vm0, $0xb8;
	[tilespmem:$0x16C00] =	vst v63  }
.LBB2_6:
0x2d5: {  	_ =	sfence.sel $0x180000  }
0x2d6: {  	[bflag:$0x0] =	sbarrier.arrive $0xFFFF  }
0x2d7: {  	_ =	strace $0x90000047  }
0x2d8: {  	s0 =	stileid.u32;
	[bflag:$0x2] =	sbarrier.arrive $0xFFFF  }
0x2d9: {  	p0 =	sne.s32 s0, $0x0;
	s0 =	rddreg [dreg:$0x4]  }
0x2da: {  	s0 =	sadd.s32 @!p0 $0x100000, s0  }
0x2db: {  	[sflag:s0] =	ssyncadd.tile.s32 @!p0 $0x1;
	_ =	shalt  }
.Lfunc_end2:
_tile_overlayer_lowered:
.L_overlay_start_2:
0x2dc: {  	(tag) =	ssettag $0x2  }
0x2dd: {  	s0 =	rddreg [dreg:$0x0];
	s2 =	stileid.u32  }
0x2de: {  	s1 =	rddreg [dreg:$0x1];
	p0 =	sne.s32 s2, $0x0  }
0x2df: {  	s3 =	rddreg [dreg:$0x2];
	[bflag:$0x3] =	sbarrier.arrive $0xFFFF;
	s2 =	simm.s32 @!p0 $0x1C04  }
0x2e0: {  	[timem:s3], [sflag:s2] =	dma.local @!p0 [hbm:s0], s1  }
0x2e1: {  	s0 =	simm.s32 @!p0 $0x4  }
0x2e2: {  	_ =	swait.ge @!p0 [sflag:s0], s1  }
0x2e3: {  	s1 =	ssub.s32 @!p0 $0x0, s1;
	[sflag:s0] =	ssyncset.done @!p0 $0x0  }
0x2e4: {  	[sflag:s0] =	ssyncadd.s32 @!p0 s1  }
0x2e5: {  	[bflag:$0x3] =	sbarrier.arrive $0xFFFF  }
0x2e6: {  	_ =	shalt  }

// kernel: sparse-core-data-format-call.cloned.1.call-start
scs
called_computation_lowered:
.L_overlay_start_0:
0x0: {  	s2 =	sld [smem:$0x3FD9]  }
0x1: {  	s3 =	sld [smem:$0x3FFE];
	_ =	sdelay $0x1  }
0x2: {  	s1 =	srdreg.scid  }
0x3: {  	s0 =	sand.u32 $0x1, s1  }
0x4: {  	s18 =	sshll.u32 s0, $0xA;
	s2 =	sadd.s32 s3, s2  }
0x5: {  	s2 =	sadd.s32 s2, s18  }
0x6: {  	[smem:$0x3FC5] =	sst s2  }
0x7: {  	_ = 	snop  }
0x8: {  	s2 =	sld [smem:$0x3FD0];
	(tm) =	ssettm $0x1  }
0x9: {  	s19 =	sld [smem:$0x3FFB];
	_ =	sdelay $0x3  }
0xa: {  	_ =	strace s19  }
0xb: {  	s3 =	sld [smem:$0x3FFC];
	_ =	sdelay $0x3  }
0xc: {  	_ =	strace s3  }
0xd: {  	s3 =	sld [smem:$0x3FFD];
	_ =	sdelay $0x3  }
0xe: {  	_ =	strace s3  }
0xf: {  	_ =	strace $0x8FFFFFFF  }
0x10: {  	s20 =	sld [smem:$0x3FDB];
	_ =	sdelay $0x1  }
0x11: {  	s4 =	simm.s32 $_scs_section_size  }
0x12: {  	s5 =	simm.s32 $_size__tile_overlayer_lowered;
	s6 =	simm.s32 $_tile_overlayer_lowered  }
0x13: {  	s23 =	simm.s32 $0x1BFF;
	s22 =	sshll.u32 s6, $0x1;
	s3 =	sadd.s32 s4, s20  }
0x14: {  	s7 =	simm.s32 $0x0;
	s21 =	sshll.u32 s5, $0x1;
	s5 =	sadd.s32 s22, s3  }
0x15: {  	[timem:s7], [sflag:s23] =	dma.local [hbm:s5], s21  }
0x16: {  	_ =	swait.ge [sflag:s23], s21  }
0x17: {  	s4 =	ssub.s32 $0x0, s21;
	[sflag:s23] =	ssyncset.done $0x0  }
0x18: {  	[sflag:s23] =	ssyncadd.s32 s4;
	_ =	sdelay $0x1  }
0x19: {  	s24 =	simm.s32 $0x1B8B  }
0x1a: {  	_ =	swait.ge [sflag:s24], $0x1  }
0x1b: {  	[sflag:s24] =	ssyncset.done $0x0  }
0x1c: {  	s26 =	simm.s32 $0x1B8E;
	s25 =	sld [smem:$0x3FFE];
	[sflag:s24] =	ssyncadd.s32 $0xFFFFFFFF  }
0x1d: {  	s27 =	simm.s32 $execute0_lowered;
	[smem:$0x3FD2] =	sst s26  }
0x1e: {  	s5 =	sshll.u32 s27, $0x1;
	_ =	strace $0x80000049;
	[dreg:$0x1] =	wrdreg $0xFFFFFFFF  }
0x1f: {  	s28 =	simm.s32 $_size_execute0_lowered;
	s3 =	sadd.s32 s3, s5;
	[dreg:$0x0] =	wrdreg $0x0  }
0x20: {  	s5 =	sshll.u32 s28, $0x1;
	[dreg:$0x2] =	wrdreg s3  }
0x21: {  	[dreg:$0x3] =	wrdreg s5  }
0x22: {  	[dreg:$0x4] =	wrdreg $0xC0  }
0x23: {  	_ =	task [dreg:s7], $0x5FFFF  }
0x24: {  	[dreg:$0x1] =	wrdreg $0xFFFFFFFF  }
0x25: {  	[dreg:$0x0] =	wrdreg $0x60  }
0x26: {  	[dreg:$0x2] =	wrdreg s25  }
0x27: {  	[dreg:$0x3] =	wrdreg s2  }
0x28: {  	[dreg:$0x4] =	wrdreg $0x9  }
0x29: {  	_ =	task.clear_ibuf [dreg:s7], $0x5FFFF;
	_ =	strace $0x90000049  }
0x2a: {  	s29 =	simm.s32 $0x9;
	_ =	strace $0x8000004B  }
0x2b: {  	_ =	swait.ge [sflag:s29], $0x1  }
0x2c: {  	[sflag:s29] =	ssyncadd.s32 $0xFFFFFFFF  }
0x2d: {  	_ =	strace $0x9000004B  }
0x2e: {  	_ =	sfence  }
0x2f: {  	s30 =	sld [smem:$0x0];
	_ =	sdelay $0x2  }
0x30: {  	s31 =	sshll.u32 s1, $0xD;
	s1 =	sshrl.u32 s1, $0x2  }
0x31: {  	s3 =	sand.u32 $0x4000, s31;
	s1 =	sadd.s32 s1, s30  }
0x32: {  	s0 =	sor.u32 s3, s0;
	s1 =	sshll.u32 s1, $0x11  }
0x33: {  	s0 =	sor.u32 s1, s0  }
0x34: {  	s0 =	sadd.s32 $0x8F2B, s0  }
0x35: {  	[sflag:s0] =	ssyncadd.remote.s32 $0x1  }
0x36: {  	_ =	sfence.sel $0xFFFF  }
0x37: {  	[dreg:$0x0] =	wrdreg $0xFFFFFFFF;
	(pc) =	sbr.abs _section_cstart, $3  }
0x38: {  	[dreg:$0x1] =	wrdreg $0xFFFFFFFF  }
0x39: {  	_ =	task.clear_ibuf [dreg:s7], $0x2FFFF;
	_ =	strace $0x9FFFFFFF  }
0x3a: {  	(tm) =	ssettm $0x7FFFFFFF  }
0x3b: {  	_ =	shalt  }
tec
execute0_lowered:
.L_overlay_start_1:
0x0: {  	(tag) =	ssettag $0x1  }
0x1: {  	s0 =	srdreg.scid;
	s6 =	rddreg [dreg:$0x0]  }
0x2: {  	s3 =	rddreg [dreg:$0x1];
	s1 =	sshll.u32 s0, $0x4  }
0x3: {  	s5 =	simm.s32 $0x1;
	s0 =	stileid.u32;
	s1 =	sand.u32 $0x10, s1  }
0x4: {  	s31 =	simm.s32 $0x2;
	s16 =	simm.s32 $0x0;
	s1 =	sor.u32 s0, s1  }
0x5: {  	s8 =	simm.s32 $0x8000;
	s18 =	simm.s32 $0x0;
	s2 =	sshll.u32 s1, $0x7  }
0x6: {  	s17 =	simm.s32 $0x0;
	s9 =	simm.s32 $0x0;
	s4 =	ssub.s32 $0x1000, s2  }
0x7: {  	s10 =	simm.s32 $0x0;
	s11 =	simm.s32 $0x0;
	s30 =	sand.u32 $0xF80, s4  }
0x8: {  	s12 =	simm.s32 $0x0;
	s13 =	simm.s32 $0x0;
	p0 =	sne.s32 s30, $0x0  }
.Ltmp0:
0x9: {  	s7 =	sshrl.u32 s4, $0xC;
	s5 =	simm.s32 @!p0 $0x0;
	(pc) =	sbr.rel .LBB1_1-.Ltmp0, $4  }
0xa: {  	s15 =	simm.s32 $0x0;
	s1 =	rddreg [dreg:$0x2];
	s5 =	sadd.s32 s5, s7  }
0xb: {  	_ =	strace $0x8000004A;
	s4 =	simm.s32 $0x1;
	s5 =	smul.u32 $0x96, s5  }
0xc: {  	s6 =	sadd.s32 $0x800, s6;
	s14 =	smov.u32 s2;
	[sflag:s4] =	ssyncpa.u1 $0x0  }
0xd: {  	[sflag:s31] =	ssyncpa.u1 $0x0;
	p0 =	por $0x0, $0x0;
	s7 =	sor.u32 $0x1, s5  }
.LBB1_4:
0xe: {  	s23 =	sshra.s32 s23, $0x2;
	s30 =	sshll.u32 s9, $0xC  }
0xf: {  	p1 =	sgt.s32 s10, $0x31;
	s24 =	smov.u32 s10;
	s25 =	sshra.s32 s10, $0x1F  }
0x10: {  	s26 =	sshll.u32 s11, $0x3;
	s28 =	smov.u32 s11;
	s29 =	sshra.s32 s11, $0x1F  }
0x11: {  	s22 =	sadd.s32 s23, s22;
	s24 =	simm.s32 @!p1 $0x31;
	s25 =	sand.u32 s25, s10  }
0x12: {  	s23 =	sand.u32 $0xFFFF8000, s30;
	s27 =	sand.u32 $0xFFFFFC00, s26;
	p1 =	sgt.s32 s9, $0xB0  }
0x13: {  	s31 =	sand.u32 s29, s11;
	s29 =	sshll.u32 s9, $0x7;
	s30 =	sshra.s32 s9, $0x1F  }
0x14: {  	[tilespmem:s21+$0x2040 ss:$0x81] =	vst.msk $0xffff, v4;
	s24 =	ssub.s32 s24, s25;
	s23 =	sadd.s32 s27, s23;
	s27 =	smov.u32 s9  }
0x15: {  	[tilespmem:s21+$0x2850 ss:$0x81] =	vst.msk $0xffff, v3;
	s29 =	sand.u32 $0x380, s29;
	s25 =	sadd.s32 $0xFFFFFFCF, s24;
	s27 =	simm.s32 @!p1 $0xB0  }
0x16: {  	v5 =	vld [tilespmem:s20+$0xFFFFFFD0];
	[tilespmem:s21+$0x3060 ss:$0x81] =	vst.msk $0xffff, v2;
	p1 =	sgt.s32 s11, $0xF80;
	s23 =	sshrl.u32 s23, $0xC;
	s24 =	ssub.s32 $0x32, s24  }
0x17: {  	v58 =	vld [tilespmem:s20+$0xFFFFFFE0];
	[tilespmem:s21+$0x0 ss:$0x81] =	vst.msk $0xffff, v1;
	s28 =	simm.s32 @!p1 $0xF80;
	p1 =	sgt.s32 s25, $0x0;
	s21 =	smulhi.u32 $0xD79436, s23  }
0x18: {  	v59 =	vld [tilespmem:s20+$0xFFFFFFF0];
	s25 =	ssub.s32 s28, s31;
	s28 =	sand.u32 s30, s9;
	s24 =	simm.s32 @p1 $0x0  }
0x19: {  	v60 =	vld [tilespmem:s20+$0x0];
	s27 =	ssub.s32 s27, s28;
	s31 =	sadd.s32 $0xFFFFF080, s25;
	s25 =	ssub.s32 $0x1000, s25  }
0x1a: {  	v61 =	vld [tilespmem:s20+$0x10];
	[tilespmem:s22+$0x3870 ss:$0x81] =	vst.msk $0xffff, v0;
	s21 =	smul.u32 $0x130, s21;
	s28 =	sand.u32 $0x7, s11;
	p1 =	sgt.s32 s31, $0x7F  }
0x1b: {  	v62 =	vld [tilespmem:s20+$0x20];
	[tilespmem:s22+$0x810 ss:$0x81] =	vst.msk $0xffff, v5;
	s30 =	sadd.s32 $0xFFFFFF50, s27;
	s31 =	sand.u32 $0x78, s11;
	s25 =	simm.s32 @p1 $0x0  }
0x1c: {  	v63 =	vld [tilespmem:s20+$0xFFFFFFC0];
	[tilespmem:s22+$0x1020 ss:$0x81] =	vst.msk $0xffff, v58;
	p1 =	sgt.s32 s30, $0x7F;
	s30 =	sand.u32 $0xC00, s26;
	s24 =	smul.u32 s25, s24  }
0x1d: {  	[tilespmem:s22+$0x1830 ss:$0x81] =	vst.msk $0xffff, v59;
	s26 =	ssub.s32 $0x130, s27;
	s20 =	sor.u32 s31, s30;
	s31 =	smul.u32 $0x26000, s10  }
0x1e: {  	[tilespmem:s22+$0x2040 ss:$0x81] =	vst.msk $0xffff, v60;
	s21 =	ssub.s32 s23, s21;
	s26 =	simm.s32 @p1 $0x0;
	s20 =	sor.u32 s29, s20  }
0x1f: {  	[tilespmem:s22+$0x2850 ss:$0x81] =	vst.msk $0xffff, v61;
	s26 =	smul.u32 s26, s24;
	s20 =	sshrl.u32 s20, $0x3;
	s27 =	sadd.s32 s3, s31  }
0x20: {  	[tilespmem:s22+$0x3060 ss:$0x81] =	vst.msk $0xffff, v62;
	s21 =	sshll.u32 s21, $0x9;
	s29 =	sshll.u32 s28, $0x12;
	s20 =	sadd.s32 s20, s27  }
0x21: {  	[tilespmem:s22+$0x0 ss:$0x81] =	vst.msk $0xffff, v63;
	s31 =	sor.u32 $0x400, s29;
	s30 =	sand.u32 $0x3FFFFFFF, s26;
	s20 =	sadd.s32 s21, s20  }
0x22: {  	[hbm4b:s20+s31] =	stream.strided.scatter [tilespmem:s19], [sflag:$0x2], s30, s8, s31, $0x20;
	[tilespmem:$0x10100] =	vst v63  }
.LBB1_5:
0x23: {  	p1 =	slt.u32 s15, $0x2  }
0x24: {  	p2 =	sgt.s32 @!p1 s18, $0x31  }
0x25: {  	s19 =	smov.u32 s18;
	s20 =	sshra.s32 @!p1 s18, $0x1F;
	p2 =	por !p2, p1  }
0x26: {  	s18 =	sand.u32 @!p1 s20, s18;
	s19 =	simm.s32 @p2 $0x31  }
0x27: {  	p3 =	sgt.s32 @!p1 s16, $0xB0;
	s18 =	ssub.s32 @!p1 s19, s18  }
0x28: {  	p4 =	sgt.s32 @!p1 s17, $0xF80;
	s21 =	sshra.s32 @!p1 s17, $0x1F;
	s19 =	sadd.s32 @!p1 $0xFFFFFFCF, s18  }
0x29: {  	s20 =	smov.u32 s16;
	p2 =	sgt.s32 @!p1 s19, $0x0;
	s19 =	sshra.s32 @!p1 s16, $0x1F  }
0x2a: {  	p4 =	por !p4, p1;
	s16 =	sand.u32 @!p1 s19, s16;
	s19 =	smov.u32 s17  }
0x2b: {  	p3 =	por !p3, p1;
	s17 =	sand.u32 @!p1 s21, s17;
	s19 =	simm.s32 @p4 $0xF80  }
0x2c: {  	s20 =	simm.s32 @p3 $0xB0;
	s18 =	ssub.s32 @!p1 $0x32, s18;
	s17 =	ssub.s32 @!p1 s19, s17  }
0x2d: {  	p2 =	por !p2, p1;
	s16 =	ssub.s32 @!p1 s20, s16;
	s20 =	sadd.s32 @!p1 $0xFFFFF080, s17  }
0x2e: {  	s18 =	simm.s32 @!p2 $0x0;
	p3 =	sgt.s32 @!p1 s20, $0x7F  }
0x2f: {  	s19 =	sadd.s32 @!p1 $0xFFFFFF50, s16;
	s17 =	ssub.s32 @!p1 $0x1000, s17;
	p3 =	por !p3, p1  }
0x30: {  	p2 =	sgt.s32 @!p1 s19, $0x7F;
	s19 =	sadd.s32 $0x80, s12;
	s17 =	simm.s32 @!p3 $0x0  }
0x31: {  	p3 =	sgt.s32 s19, $0x12B;
	s17 =	smul.u32 @!p1 s17, s18;
	s18 =	simm.s32 $0x1  }
0x32: {  	s16 =	ssub.s32 @!p1 $0x130, s16;
	p2 =	por !p2, p1;
	s18 =	simm.s32 @!p3 $0x0  }
0x33: {  	s21 =	smov.u32 s14;
	s16 =	simm.s32 @!p2 $0x0;
	s20 =	sadd.s32 s18, s13  }
0x34: {  	s16 =	smul.u32 @!p1 s16, s17;
	s17 =	sadd.s32 $0x1000, s14;
	p2 =	sgt.s32 s20, $0x31  }
0x35: {  	p0 =	por !p0, !p0;
	s22 =	simm.s32 @!p1 $0x2;
	s21 =	smov.u32 @p2 s17  }
0x36: {  	s19 =	simm.s32 @p3 $0x0;
	s20 =	simm.s32 @p2 $0x0;
	p2 =	sgt.s32 s21, $0xFFF  }
0x37: {  	s18 =	smov.u32 s10;
	s21 =	smov.u32 @p2 s2;
	p2 =	sne.s32 s15, s7  }
.Ltmp1:
0x38: {  	s10 =	smov.u32 s13;
	s16 =	sand.u32 @!p1 $0x3FFFFFFF, s16;
	(pc) =	sbr.rel @!p2 .LBB1_6-.Ltmp1, $4  }
0x39: {  	s17 =	smov.u32 s11;
	s11 =	smov.u32 s14;
	_ =	swait.ge @!p1 [sflag:s22], s16  }
0x3a: {  	s23 =	ssub.s32 @!p1 $0x0, s16;
	s16 =	smov.u32 s9;
	s9 =	smov.u32 s12  }
0x3b: {  	s12 =	smov.u32 s19;
	s13 =	smov.u32 s20;
	[sflag:s22] =	ssyncset.done @!p1 $0x0  }
0x3c: {  	s15 =	sadd.s32 $0x1, s15;
	[sflag:s22] =	ssyncadd.s32 @!p1 s23;
	s14 =	smov.u32 s21  }
.LBB1_1:
0x3d: {  	p1 =	sge.u32 s15, s5  }
0x3e: {  	s19 =	sshrl.u32 @!p1 s13, $0x3  }
0x3f: {  	s20 =	sshll.u32 @!p1 s12, $0x3;
	s19 =	smul.u32 @!p1 $0xC00, s19  }
0x40: {  	s21 =	sshll.u32 @!p1 s13, $0x7;
	s20 =	sand.u32 @!p1 $0xFFFFFC00, s20  }
0x41: {  	s19 =	sadd.s32 @!p1 s19, s20;
	s20 =	sand.u32 @!p1 $0x380, s21  }
0x42: {  	s19 =	sor.u32 @!p1 s20, s19  }
0x43: {  	s20 =	sand.u32 @!p1 $0x7F, s12;
	s21 =	smulhi.u32 @!p1 $0xAAAAAAAB, s19  }
0x44: {  	s19 =	sor.u32 @!p1 s20, s19  }
0x45: {  	s20 =	smulhi.u32 @!p1 $0xAAAAAAAB, s19;
	s21 =	sshrl.u32 @!p1 s21, $0x8  }
0x46: {  	s22 =	smulhi.u32 @!p1 $0x4924925, s21;
	_ =	sdelay $0x1  }
0x47: {  	s20 =	sshrl.u32 @!p1 s20, $0x8;
	s22 =	smul.u32 @!p1 $0x38, s22  }
0x48: {  	s31 =	sadd.s32 $0xFFFFFFFF, s15;
	s20 =	smul.u32 @!p1 $0x180, s20  }
0x49: {  	s23 =	sxor.u32 @!p1 $0xFFFFFFFF, s15;
	s21 =	ssub.s32 @!p1 s21, s22;
	s22 =	smul.u32 @!p1 $0xA80, s14  }
0x4a: {  	s23 =	sshll.u32 @!p1 s23, $0xE;
	s19 =	ssub.s32 @!p1 s19, s20;
	s20 =	smul.u32 @!p1 $0x30, s21  }
0x4b: {  	s21 =	sand.u32 @!p1 $0x4000, s23;
	s23 =	sand.u32 @!p1 $0x7, s19;
	s22 =	sadd.s32 @!p1 s6, s22  }
0x4c: {  	s19 =	sshrl.u32 @!p1 s19, $0x3;
	s20 =	sadd.s32 @!p1 s20, s22;
	s22 =	sshll.u32 @!p1 s23, $0x12  }
0x4d: {  	s19 =	sadd.s32 @!p1 s19, s20;
	s20 =	sor.u32 @!p1 $0x80, s22;
	s22 =	simm.s32 @!p1 $0x5400  }
0x4e: {  	[tilespmem:s21], [sflag:$0x1] =	stream.strided.gather @!p1 [hbm4b:s19+s20], $0x4000, s22, s20, $0x38;
	[tilespmem:$0x10100] =	vst v63  }
0x4f: {  	p1 =	sge.u32 s31, s5  }
.Ltmp2:
0x50: {  	_ = 	snop;
	(pc) =	sbr.rel @p1 .LBB1_5-.Ltmp2, $1  }
0x51: {  	_ =	sdelay $0x3  }
0x52: {  	s19 =	simm.s32 $0x1  }
0x53: {  	_ =	swait.ge [sflag:s4], $0x4000;
	s19 =	simm.s32 @!p0 $0x0  }
0x54: {  	[sflag:s4] =	ssyncset.done $0x0;
	s20 =	sshll.u32 s19, $0xE  }
0x55: {  	[sflag:s4] =	ssyncadd.s32 $0xFFFFC000;
	s20 =	sor.u32 $0x40, s20  }
0x56: {  	s19 =	smul.u32 $0x10200, s19;
	v0 =	vld [tilespmem:s20+$0x30]  }
0x57: {  	v1 =	vld [tilespmem:s20+$0xFFFFFFD0]  }
0x58: {  	s19 =	sshrl.u32 s19, $0x2;
	v5 =	vld [tilespmem:s20+$0xFFFFFFE0]  }
0x59: {  	v6 =	vld [tilespmem:s20+$0xFFFFFFF0];
	s22 =	sor.u32 $0x8000, s19  }
0x5a: {  	s31 =	sand.u32 $0x1, s15;
	v4 =	vld [tilespmem:s20+$0x0];
	s21 =	sadd.s32 $0x0, s22  }
0x5b: {  	v3 =	vld [tilespmem:s20+$0x10];
	s19 =	smul.u32 $0x10200, s31;
	[tilespmem:s21+$0x3870 ss:$0x81] =	vst.msk $0xffff, v0  }
0x5c: {  	v2 =	vld [tilespmem:s20+$0x20];
	[tilespmem:s21+$0x810 ss:$0x81] =	vst.msk $0xffff, v1  }
0x5d: {  	s19 =	sshrl.u32 s19, $0x2;
	v1 =	vld [tilespmem:s20+$0xFFFFFFC0];
	[tilespmem:s21+$0x1020 ss:$0x81] =	vst.msk $0xffff, v5;
	s20 =	sadd.s32 $0x80, s20  }
0x5e: {  	s23 =	simm.s32 $0x4;
	s24 =	simm.s32 $0x8;
	s19 =	sor.u32 $0x8000, s19;
	[tilespmem:s21+$0x1830 ss:$0x81] =	vst.msk $0xffff, v6;
	v0 =	vld [tilespmem:s20+$0x30]  }
.LBB1_3:
0x5f: {  	p1 =	sne.s32 s24, $0x1FC;
	v5 =	vld [tilespmem:s20+$0xFFFFFFD0];
	[tilespmem:s21+$0x2040 ss:$0x81] =	vst.msk $0xffff, v4  }
0x60: {  	v6 =	vld [tilespmem:s20+$0xFFFFFFE0];
	[tilespmem:s21+$0x2850 ss:$0x81] =	vst.msk $0xffff, v3  }
0x61: {  	s25 =	sshra.s32 s23, $0x2;
	s23 =	smov.u32 s24;
	v7 =	vld [tilespmem:s20+$0xFFFFFFF0];
	[tilespmem:s21+$0x3060 ss:$0x81] =	vst.msk $0xffff, v2  }
.Ltmp3:
0x62: {  	v4 =	vld [tilespmem:s20+$0x0];
	[tilespmem:s21+$0x0 ss:$0x81] =	vst.msk $0xffff, v1;
	s21 =	sadd.s32 s25, s22;
	(pc) =	sbr.rel @p1 .LBB1_3-.Ltmp3, $4  }
0x63: {  	v3 =	vld [tilespmem:s20+$0x10];
	[tilespmem:s21+$0x3870 ss:$0x81] =	vst.msk $0xffff, v0  }
0x64: {  	[tilespmem:s21+$0x810 ss:$0x81] =	vst.msk $0xffff, v5;
	v2 =	vld [tilespmem:s20+$0x20]  }
0x65: {  	v1 =	vld [tilespmem:s20+$0xFFFFFFC0];
	[tilespmem:s21+$0x1020 ss:$0x81] =	vst.msk $0xffff, v6;
	s20 =	sadd.s32 $0x80, s20  }
0x66: {  	s24 =	sadd.s32 $0x4, s24;
	v0 =	vld [tilespmem:s20+$0x30];
	[tilespmem:s21+$0x1830 ss:$0x81] =	vst.msk $0xffff, v7  }
.Ltmp4:
0x67: {  	_ = 	snop;
	(pc) =	sbr.rel .LBB1_4-.Ltmp4, $1  }
0x68: {  	_ =	sdelay $0x3  }
.LBB1_6:
0x69: {  	_ =	sfence.sel $0x180000  }
0x6a: {  	s2 =	simm.s32 $0x1;
	[bflag:$0x0] =	sbarrier.arrive $0xFFFF  }
0x6b: {  	s31 =	simm.s32 $0x2;
	[sflag:s2] =	ssyncpa.u1 $0x1  }
0x6c: {  	[sflag:s31] =	ssyncpa.u1 $0x1  }
0x6d: {  	p0 =	sne.s32 s0, $0x0;
	_ =	strace $0x9000004A  }
0x6e: {  	s0 =	sadd.s32 @!p0 $0x100000, s1;
	[bflag:$0x2] =	sbarrier.arrive $0xFFFF  }
0x6f: {  	[sflag:s0] =	ssyncadd.tile.s32 @!p0 $0x1;
	_ =	shalt  }
.Lfunc_end1:
_tile_overlayer_lowered:
.L_overlay_start_2:
0x70: {  	(tag) =	ssettag $0x2  }
0x71: {  	s0 =	rddreg [dreg:$0x0];
	s2 =	stileid.u32  }
0x72: {  	s1 =	rddreg [dreg:$0x1];
	p0 =	sne.s32 s2, $0x0  }
0x73: {  	s3 =	rddreg [dreg:$0x2];
	[bflag:$0x3] =	sbarrier.arrive $0xFFFF;
	s2 =	simm.s32 @!p0 $0x1C01  }
0x74: {  	[timem:s3], [sflag:s2] =	dma.local @!p0 [hbm:s0], s1  }
0x75: {  	s0 =	simm.s32 @!p0 $0x1  }
0x76: {  	_ =	swait.ge @!p0 [sflag:s0], s1  }
0x77: {  	s1 =	ssub.s32 @!p0 $0x0, s1;
	[sflag:s0] =	ssyncset.done @!p0 $0x0  }
0x78: {  	[sflag:s0] =	ssyncadd.s32 @!p0 s1  }
0x79: {  	[bflag:$0x3] =	sbarrier.arrive $0xFFFF  }
0x7a: {  	_ =	shalt  }

</sc_bundles>
